<compile_context>
chip_gen: v7x
topology: tpu7x:2x2x1
jax: 0.10.2.dev20260603
libtpu: 0.0.44.dev20260713+nightly
codegen_flags: <defaults>
</compile_context>

<pallas_src>
import functools

import jax
import jax.numpy as jnp
from jax import lax
from jax.experimental import pallas as pl
from jax.experimental.pallas import tpu as pltpu
from jax.experimental.pallas import tpu_sc as plsc

NUM_EMB = 1_000_000
DIM = 64
PDIM = 128
ROWS = 16384
COLS = 26
SLOTS = 32

NC = 2
NS = 16
NW = NC * NS

L = 16

_mesh = plsc.VectorSubcoreMesh(core_axis_name="c", subcore_axis_name="s")

CB = 8
R_PER_W = ROWS // NW
N_CHUNKS = R_PER_W // CB
CROWS = CB * SLOTS

assert R_PER_W % CB == 0 and N_CHUNKS % 2 == 0


@functools.partial(
    pl.kernel,
    mesh=_mesh,
    out_type=jax.ShapeDtypeStruct((ROWS * SLOTS, PDIM), jnp.float32),
    scratch_types=[
        pltpu.VMEM((R_PER_W, COLS), jnp.int32),
        pltpu.VMEM((CROWS, PDIM), jnp.float32),
        pltpu.VMEM((CROWS, PDIM), jnp.float32),
        pltpu.SemaphoreType.DMA,
        pltpu.SemaphoreType.DMA,
        pltpu.SemaphoreType.DMA,
    ],
)
def _emb_lookup(idx_hbm, table_hbm, out_hbm, idx_v, rows0, rows1, gsem,
                osem0, osem1):
    wid = lax.axis_index("s") * NC + lax.axis_index("c")
    row0 = wid * R_PER_W

    def gather(i, rbuf):
        for blk in range(CB):
            pltpu.async_copy(
                table_hbm.at[idx_v.at[i * CB + blk]],
                rbuf.at[pl.ds(blk * SLOTS, COLS)],
                gsem,
            )

    def wait_gather(rbuf):
        for blk in range(CB):
            pltpu.make_async_copy(
                table_hbm.at[idx_v.at[blk]],
                rbuf.at[pl.ds(blk * SLOTS, COLS)],
                gsem,
            ).wait()

    def store(i, rbuf, osem):
        pltpu.async_copy(
            rbuf, out_hbm.at[pl.ds((row0 + i * CB) * SLOTS, CROWS)], osem)

    def wait_store(rbuf, osem):
        pltpu.make_async_copy(
            rbuf, out_hbm.at[pl.ds(0, CROWS)], osem).wait()

    pltpu.sync_copy(idx_hbm.at[pl.ds(row0, R_PER_W)], idx_v)

    gather(0, rows0)
    wait_gather(rows0)
    gather(1, rows1)
    store(0, rows0, osem0)

    def body(k, _):
        i1 = 2 * k + 1
        wait_gather(rows1)
        wait_store(rows0, osem0)
        gather(i1 + 1, rows0)
        store(i1, rows1, osem1)
        i2 = 2 * k + 2
        wait_gather(rows0)
        wait_store(rows1, osem1)
        gather(i2 + 1, rows1)
        store(i2, rows0, osem0)
        return 0

    lax.fori_loop(0, N_CHUNKS // 2 - 1, body, 0)

    wait_gather(rows1)
    wait_store(rows0, osem0)
    store(N_CHUNKS - 1, rows1, osem1)
    wait_store(rows1, osem1)


def kernel(x, Weights):
    table = jnp.pad(Weights, ((0, 0), (0, PDIM - DIM)))
    out = _emb_lookup(x.astype(jnp.int32), table)
    return out.reshape(ROWS, SLOTS, PDIM)[:, :COLS, :DIM]

# --- scband reference (transcript-rebuilt; emitter-appended) ---
"""Pipeline reference for scband-embeddings-70385924047171 (READ-ONLY COPY).

The authoritative reference and input builder live on the scoring server;
editing this copy changes nothing except your own understanding.
"""

import jax, jax.numpy as jnp
import numpy as np

NUM_EMBEDDINGS = 1000000
EMBEDDING_DIM = 64

def setup_inputs(seed: int = 0) -> dict:
    key = jax.random.key(seed)
    k_idx, k_w = jax.random.split(key)
    x = jax.random.randint(k_idx, (16384, 26), 0, NUM_EMBEDDINGS, dtype=jnp.int64 if jax.config.jax_enable_x64 else jnp.int32)
    # truncated normal init (mean=0, std=1), matching nn.init.trunc_normal_ defaults (a=-2, b=2)
    Weights = jax.random.truncated_normal(k_w, -2.0, 2.0, (NUM_EMBEDDINGS, EMBEDDING_DIM), dtype=jnp.float32)
    return {"x": x, "Weights": Weights}

def reference(x, Weights):
    # out = self.Weights[x]
    out = jnp.take(Weights, x, axis=0)
    return out

if __name__ == "__main__":
    import jax
    _d = setup_inputs()
    print(jax.jit(kernel)(*tuple(_d.values())))

</pallas_src>

<mosaic_0001>
#map = affine_map<(d0, d1) -> (0, 0)>
module attributes {stable_mosaic.version = 14 : i64} {
  func.func @_emb_lookup(%arg0: i32, %arg1: i32, %arg2: memref<16384x26xi32, #tpu.memory_space<hbm>>, %arg3: memref<1000000x128xf32, #tpu.memory_space<hbm>>, %arg4: memref<524288x128xf32, #tpu.memory_space<hbm>>, %arg5: memref<512x26xi32, #tpu.memory_space<vmem>>, %arg6: memref<256x128xf32, #tpu.memory_space<vmem>>, %arg7: memref<256x128xf32, #tpu.memory_space<vmem>>, %arg8: memref<!tpu.dma_semaphore, #tpu.memory_space<semaphore_mem>>, %arg9: memref<!tpu.dma_semaphore, #tpu.memory_space<semaphore_mem>>, %arg10: memref<!tpu.dma_semaphore, #tpu.memory_space<semaphore_mem>>) attributes {dimension_semantics = [#tpu.dimension_semantics<core_parallel>, #tpu.dimension_semantics<subcore_parallel>], iteration_bounds = array<i64: 2, 16>, scalar_prefetch = 0 : i64, scratch_operands = 6 : i64, tpu.core_type = #tpu.core_type<sc_vector_subcore>, window_params = [{transform_indices = #map}, {transform_indices = #map}, {transform_indices = #map}]} {
    %mul3A = arith.constant 2 : i32
    %mul3A_0 = arith.muli %arg1, %mul3A : i32
    %add3A = arith.addi %mul3A_0, %arg0 : i32
    %mul3A_1 = arith.constant 512 : i32
    %mul3A_2 = arith.muli %add3A, %mul3A_1 : i32
    "tpu.region"() ({
      %run_scoped3A = tpu.sem_alloc : memref<!tpu.dma_semaphore, #tpu.memory_space<semaphore_mem>>
      %dma_start3A_355 = arith.constant 0 : i32
      %dma_start3A_356 = tpu.memref_slice %arg2[%mul3A_2, %dma_start3A_355] : memref<16384x26xi32, #tpu.memory_space<hbm>> -> memref<512x26xi32, #tpu.memory_space<hbm>>
      %dma_start3A_357 = arith.constant 0 : i32
      %dma_start3A_358 = tpu.memref_slice %arg2[%mul3A_2, %dma_start3A_357] : memref<16384x26xi32, #tpu.memory_space<hbm>> -> memref<512x26xi32, #tpu.memory_space<hbm>>
      tpu.enqueue_dma source(%dma_start3A_358 : memref<512x26xi32, #tpu.memory_space<hbm>>) target(%arg5 : memref<512x26xi32, #tpu.memory_space<vmem>>) target_semaphore(%run_scoped3A : memref<!tpu.dma_semaphore, #tpu.memory_space<semaphore_mem>>)
      %dma_wait3A_359 = arith.constant 0 : i32
      %dma_wait3A_360 = tpu.memref_slice %arg2[%mul3A_2, %dma_wait3A_359] : memref<16384x26xi32, #tpu.memory_space<hbm>> -> memref<512x26xi32, #tpu.memory_space<hbm>>
      %dma_wait3A_361 = arith.constant 0 : i32
      %dma_wait3A_362 = tpu.memref_slice %arg2[%mul3A_2, %dma_wait3A_361] : memref<16384x26xi32, #tpu.memory_space<hbm>> -> memref<512x26xi32, #tpu.memory_space<hbm>>
      tpu.wait_dma2 semaphore(%run_scoped3A : memref<!tpu.dma_semaphore, #tpu.memory_space<semaphore_mem>>) src(%dma_wait3A_362 : memref<512x26xi32, #tpu.memory_space<hbm>>) dst(%arg5 : memref<512x26xi32, #tpu.memory_space<vmem>>)
      tpu.yield
    }) : () -> ()
    %dma_start3A = arith.constant 0 : i32
    %dma_start3A_3 = arith.constant 0 : i32
    %dma_start3A_4 = arith.constant 0 : i32
    %dma_start3A_5 = tpu.memref_slice %arg6[%dma_start3A_3, %dma_start3A_4] : memref<256x128xf32, #tpu.memory_space<vmem>> -> memref<26x128xf32, #tpu.memory_space<vmem>>
    %dma_start3A_6 = arith.constant 0 : i32
    %dma_start3A_7 = tpu.memref_slice %arg5[%dma_start3A, %dma_start3A_6] : memref<512x26xi32, #tpu.memory_space<vmem>> -> memref<1x26xi32, #tpu.memory_space<vmem>>
    %dma_start3A_8 = tpu.memref_squeeze %dma_start3A_7 : memref<1x26xi32, #tpu.memory_space<vmem>> -> memref<26xi32, #tpu.memory_space<vmem>>
    %dma_start3A_9 = arith.constant 0 : i32
    %dma_start3A_10 = arith.constant 0 : i32
    %dma_start3A_11 = tpu.memref_slice %arg3[%dma_start3A_9, %dma_start3A_10] : memref<1000000x128xf32, #tpu.memory_space<hbm>> -> memref<1000000x128xf32, #tpu.memory_space<hbm>>
    tpu.enqueue_indirect_dma source(%dma_start3A_11 : memref<1000000x128xf32, #tpu.memory_space<hbm>>) target(%dma_start3A_5 : memref<26x128xf32, #tpu.memory_space<vmem>>) offsets(%dma_start3A_8 : memref<26xi32, #tpu.memory_space<vmem>>) semaphore(%arg8 : memref<!tpu.dma_semaphore, #tpu.memory_space<semaphore_mem>>)
    %dma_start3A_12 = arith.constant 1 : i32
    %dma_start3A_13 = arith.constant 32 : i32
    %dma_start3A_14 = arith.constant 0 : i32
    %dma_start3A_15 = tpu.memref_slice %arg6[%dma_start3A_13, %dma_start3A_14] : memref<256x128xf32, #tpu.memory_space<vmem>> -> memref<26x128xf32, #tpu.memory_space<vmem>>
    %dma_start3A_16 = arith.constant 0 : i32
    %dma_start3A_17 = tpu.memref_slice %arg5[%dma_start3A_12, %dma_start3A_16] : memref<512x26xi32, #tpu.memory_space<vmem>> -> memref<1x26xi32, #tpu.memory_space<vmem>>
    %dma_start3A_18 = tpu.memref_squeeze %dma_start3A_17 : memref<1x26xi32, #tpu.memory_space<vmem>> -> memref<26xi32, #tpu.memory_space<vmem>>
    %dma_start3A_19 = arith.constant 0 : i32
    %dma_start3A_20 = arith.constant 0 : i32
    %dma_start3A_21 = tpu.memref_slice %arg3[%dma_start3A_19, %dma_start3A_20] : memref<1000000x128xf32, #tpu.memory_space<hbm>> -> memref<1000000x128xf32, #tpu.memory_space<hbm>>
    tpu.enqueue_indirect_dma source(%dma_start3A_21 : memref<1000000x128xf32, #tpu.memory_space<hbm>>) target(%dma_start3A_15 : memref<26x128xf32, #tpu.memory_space<vmem>>) offsets(%dma_start3A_18 : memref<26xi32, #tpu.memory_space<vmem>>) semaphore(%arg8 : memref<!tpu.dma_semaphore, #tpu.memory_space<semaphore_mem>>)
    %dma_start3A_22 = arith.constant 2 : i32
    %dma_start3A_23 = arith.constant 64 : i32
    %dma_start3A_24 = arith.constant 0 : i32
    %dma_start3A_25 = tpu.memref_slice %arg6[%dma_start3A_23, %dma_start3A_24] : memref<256x128xf32, #tpu.memory_space<vmem>> -> memref<26x128xf32, #tpu.memory_space<vmem>>
    %dma_start3A_26 = arith.constant 0 : i32
    %dma_start3A_27 = tpu.memref_slice %arg5[%dma_start3A_22, %dma_start3A_26] : memref<512x26xi32, #tpu.memory_space<vmem>> -> memref<1x26xi32, #tpu.memory_space<vmem>>
    %dma_start3A_28 = tpu.memref_squeeze %dma_start3A_27 : memref<1x26xi32, #tpu.memory_space<vmem>> -> memref<26xi32, #tpu.memory_space<vmem>>
    %dma_start3A_29 = arith.constant 0 : i32
    %dma_start3A_30 = arith.constant 0 : i32
    %dma_start3A_31 = tpu.memref_slice %arg3[%dma_start3A_29, %dma_start3A_30] : memref<1000000x128xf32, #tpu.memory_space<hbm>> -> memref<1000000x128xf32, #tpu.memory_space<hbm>>
    tpu.enqueue_indirect_dma source(%dma_start3A_31 : memref<1000000x128xf32, #tpu.memory_space<hbm>>) target(%dma_start3A_25 : memref<26x128xf32, #tpu.memory_space<vmem>>) offsets(%dma_start3A_28 : memref<26xi32, #tpu.memory_space<vmem>>) semaphore(%arg8 : memref<!tpu.dma_semaphore, #tpu.memory_space<semaphore_mem>>)
    %dma_start3A_32 = arith.constant 3 : i32
    %dma_start3A_33 = arith.constant 96 : i32
    %dma_start3A_34 = arith.constant 0 : i32
    %dma_start3A_35 = tpu.memref_slice %arg6[%dma_start3A_33, %dma_start3A_34] : memref<256x128xf32, #tpu.memory_space<vmem>> -> memref<26x128xf32, #tpu.memory_space<vmem>>
    %dma_start3A_36 = arith.constant 0 : i32
    %dma_start3A_37 = tpu.memref_slice %arg5[%dma_start3A_32, %dma_start3A_36] : memref<512x26xi32, #tpu.memory_space<vmem>> -> memref<1x26xi32, #tpu.memory_space<vmem>>
    %dma_start3A_38 = tpu.memref_squeeze %dma_start3A_37 : memref<1x26xi32, #tpu.memory_space<vmem>> -> memref<26xi32, #tpu.memory_space<vmem>>
    %dma_start3A_39 = arith.constant 0 : i32
    %dma_start3A_40 = arith.constant 0 : i32
    %dma_start3A_41 = tpu.memref_slice %arg3[%dma_start3A_39, %dma_start3A_40] : memref<1000000x128xf32, #tpu.memory_space<hbm>> -> memref<1000000x128xf32, #tpu.memory_space<hbm>>
    tpu.enqueue_indirect_dma source(%dma_start3A_41 : memref<1000000x128xf32, #tpu.memory_space<hbm>>) target(%dma_start3A_35 : memref<26x128xf32, #tpu.memory_space<vmem>>) offsets(%dma_start3A_38 : memref<26xi32, #tpu.memory_space<vmem>>) semaphore(%arg8 : memref<!tpu.dma_semaphore, #tpu.memory_space<semaphore_mem>>)
    %dma_start3A_42 = arith.constant 4 : i32
    %dma_start3A_43 = arith.constant 128 : i32
    %dma_start3A_44 = arith.constant 0 : i32
    %dma_start3A_45 = tpu.memref_slice %arg6[%dma_start3A_43, %dma_start3A_44] : memref<256x128xf32, #tpu.memory_space<vmem>> -> memref<26x128xf32, #tpu.memory_space<vmem>>
    %dma_start3A_46 = arith.constant 0 : i32
    %dma_start3A_47 = tpu.memref_slice %arg5[%dma_start3A_42, %dma_start3A_46] : memref<512x26xi32, #tpu.memory_space<vmem>> -> memref<1x26xi32, #tpu.memory_space<vmem>>
    %dma_start3A_48 = tpu.memref_squeeze %dma_start3A_47 : memref<1x26xi32, #tpu.memory_space<vmem>> -> memref<26xi32, #tpu.memory_space<vmem>>
    %dma_start3A_49 = arith.constant 0 : i32
    %dma_start3A_50 = arith.constant 0 : i32
    %dma_start3A_51 = tpu.memref_slice %arg3[%dma_start3A_49, %dma_start3A_50] : memref<1000000x128xf32, #tpu.memory_space<hbm>> -> memref<1000000x128xf32, #tpu.memory_space<hbm>>
    tpu.enqueue_indirect_dma source(%dma_start3A_51 : memref<1000000x128xf32, #tpu.memory_space<hbm>>) target(%dma_start3A_45 : memref<26x128xf32, #tpu.memory_space<vmem>>) offsets(%dma_start3A_48 : memref<26xi32, #tpu.memory_space<vmem>>) semaphore(%arg8 : memref<!tpu.dma_semaphore, #tpu.memory_space<semaphore_mem>>)
    %dma_start3A_52 = arith.constant 5 : i32
    %dma_start3A_53 = arith.constant 160 : i32
    %dma_start3A_54 = arith.constant 0 : i32
    %dma_start3A_55 = tpu.memref_slice %arg6[%dma_start3A_53, %dma_start3A_54] : memref<256x128xf32, #tpu.memory_space<vmem>> -> memref<26x128xf32, #tpu.memory_space<vmem>>
    %dma_start3A_56 = arith.constant 0 : i32
    %dma_start3A_57 = tpu.memref_slice %arg5[%dma_start3A_52, %dma_start3A_56] : memref<512x26xi32, #tpu.memory_space<vmem>> -> memref<1x26xi32, #tpu.memory_space<vmem>>
    %dma_start3A_58 = tpu.memref_squeeze %dma_start3A_57 : memref<1x26xi32, #tpu.memory_space<vmem>> -> memref<26xi32, #tpu.memory_space<vmem>>
    %dma_start3A_59 = arith.constant 0 : i32
    %dma_start3A_60 = arith.constant 0 : i32
    %dma_start3A_61 = tpu.memref_slice %arg3[%dma_start3A_59, %dma_start3A_60] : memref<1000000x128xf32, #tpu.memory_space<hbm>> -> memref<1000000x128xf32, #tpu.memory_space<hbm>>
    tpu.enqueue_indirect_dma source(%dma_start3A_61 : memref<1000000x128xf32, #tpu.memory_space<hbm>>) target(%dma_start3A_55 : memref<26x128xf32, #tpu.memory_space<vmem>>) offsets(%dma_start3A_58 : memref<26xi32, #tpu.memory_space<vmem>>) semaphore(%arg8 : memref<!tpu.dma_semaphore, #tpu.memory_space<semaphore_mem>>)
    %dma_start3A_62 = arith.constant 6 : i32
    %dma_start3A_63 = arith.constant 192 : i32
    %dma_start3A_64 = arith.constant 0 : i32
    %dma_start3A_65 = tpu.memref_slice %arg6[%dma_start3A_63, %dma_start3A_64] : memref<256x128xf32, #tpu.memory_space<vmem>> -> memref<26x128xf32, #tpu.memory_space<vmem>>
    %dma_start3A_66 = arith.constant 0 : i32
    %dma_start3A_67 = tpu.memref_slice %arg5[%dma_start3A_62, %dma_start3A_66] : memref<512x26xi32, #tpu.memory_space<vmem>> -> memref<1x26xi32, #tpu.memory_space<vmem>>
    %dma_start3A_68 = tpu.memref_squeeze %dma_start3A_67 : memref<1x26xi32, #tpu.memory_space<vmem>> -> memref<26xi32, #tpu.memory_space<vmem>>
    %dma_start3A_69 = arith.constant 0 : i32
    %dma_start3A_70 = arith.constant 0 : i32
    %dma_start3A_71 = tpu.memref_slice %arg3[%dma_start3A_69, %dma_start3A_70] : memref<1000000x128xf32, #tpu.memory_space<hbm>> -> memref<1000000x128xf32, #tpu.memory_space<hbm>>
    tpu.enqueue_indirect_dma source(%dma_start3A_71 : memref<1000000x128xf32, #tpu.memory_space<hbm>>) target(%dma_start3A_65 : memref<26x128xf32, #tpu.memory_space<vmem>>) offsets(%dma_start3A_68 : memref<26xi32, #tpu.memory_space<vmem>>) semaphore(%arg8 : memref<!tpu.dma_semaphore, #tpu.memory_space<semaphore_mem>>)
    %dma_start3A_72 = arith.constant 7 : i32
    %dma_start3A_73 = arith.constant 224 : i32
    %dma_start3A_74 = arith.constant 0 : i32
    %dma_start3A_75 = tpu.memref_slice %arg6[%dma_start3A_73, %dma_start3A_74] : memref<256x128xf32, #tpu.memory_space<vmem>> -> memref<26x128xf32, #tpu.memory_space<vmem>>
    %dma_start3A_76 = arith.constant 0 : i32
    %dma_start3A_77 = tpu.memref_slice %arg5[%dma_start3A_72, %dma_start3A_76] : memref<512x26xi32, #tpu.memory_space<vmem>> -> memref<1x26xi32, #tpu.memory_space<vmem>>
    %dma_start3A_78 = tpu.memref_squeeze %dma_start3A_77 : memref<1x26xi32, #tpu.memory_space<vmem>> -> memref<26xi32, #tpu.memory_space<vmem>>
    %dma_start3A_79 = arith.constant 0 : i32
    %dma_start3A_80 = arith.constant 0 : i32
    %dma_start3A_81 = tpu.memref_slice %arg3[%dma_start3A_79, %dma_start3A_80] : memref<1000000x128xf32, #tpu.memory_space<hbm>> -> memref<1000000x128xf32, #tpu.memory_space<hbm>>
    tpu.enqueue_indirect_dma source(%dma_start3A_81 : memref<1000000x128xf32, #tpu.memory_space<hbm>>) target(%dma_start3A_75 : memref<26x128xf32, #tpu.memory_space<vmem>>) offsets(%dma_start3A_78 : memref<26xi32, #tpu.memory_space<vmem>>) semaphore(%arg8 : memref<!tpu.dma_semaphore, #tpu.memory_space<semaphore_mem>>)
    %dma_wait3A = arith.constant 0 : i32
    %dma_wait3A_82 = arith.constant 0 : i32
    %dma_wait3A_83 = arith.constant 0 : i32
    %dma_wait3A_84 = tpu.memref_slice %arg6[%dma_wait3A_82, %dma_wait3A_83] : memref<256x128xf32, #tpu.memory_space<vmem>> -> memref<26x128xf32, #tpu.memory_space<vmem>>
    %dma_wait3A_85 = arith.constant 0 : i32
    %dma_wait3A_86 = tpu.memref_slice %arg5[%dma_wait3A, %dma_wait3A_85] : memref<512x26xi32, #tpu.memory_space<vmem>> -> memref<1x26xi32, #tpu.memory_space<vmem>>
    %dma_wait3A_87 = tpu.memref_squeeze %dma_wait3A_86 : memref<1x26xi32, #tpu.memory_space<vmem>> -> memref<26xi32, #tpu.memory_space<vmem>>
    %dma_wait3A_88 = arith.constant 0 : i32
    %dma_wait3A_89 = arith.constant 0 : i32
    %dma_wait3A_90 = tpu.memref_slice %arg3[%dma_wait3A_88, %dma_wait3A_89] : memref<1000000x128xf32, #tpu.memory_space<hbm>> -> memref<1000000x128xf32, #tpu.memory_space<hbm>>
    tpu.wait_indirect_dma semaphore(%arg8 : memref<!tpu.dma_semaphore, #tpu.memory_space<semaphore_mem>>) src(%dma_wait3A_90 : memref<1000000x128xf32, #tpu.memory_space<hbm>>) dst(%dma_wait3A_84 : memref<26x128xf32, #tpu.memory_space<vmem>>)
    %dma_wait3A_91 = arith.constant 1 : i32
    %dma_wait3A_92 = arith.constant 32 : i32
    %dma_wait3A_93 = arith.constant 0 : i32
    %dma_wait3A_94 = tpu.memref_slice %arg6[%dma_wait3A_92, %dma_wait3A_93] : memref<256x128xf32, #tpu.memory_space<vmem>> -> memref<26x128xf32, #tpu.memory_space<vmem>>
    %dma_wait3A_95 = arith.constant 0 : i32
    %dma_wait3A_96 = tpu.memref_slice %arg5[%dma_wait3A_91, %dma_wait3A_95] : memref<512x26xi32, #tpu.memory_space<vmem>> -> memref<1x26xi32, #tpu.memory_space<vmem>>
    %dma_wait3A_97 = tpu.memref_squeeze %dma_wait3A_96 : memref<1x26xi32, #tpu.memory_space<vmem>> -> memref<26xi32, #tpu.memory_space<vmem>>
    %dma_wait3A_98 = arith.constant 0 : i32
    %dma_wait3A_99 = arith.constant 0 : i32
    %dma_wait3A_100 = tpu.memref_slice %arg3[%dma_wait3A_98, %dma_wait3A_99] : memref<1000000x128xf32, #tpu.memory_space<hbm>> -> memref<1000000x128xf32, #tpu.memory_space<hbm>>
    tpu.wait_indirect_dma semaphore(%arg8 : memref<!tpu.dma_semaphore, #tpu.memory_space<semaphore_mem>>) src(%dma_wait3A_100 : memref<1000000x128xf32, #tpu.memory_space<hbm>>) dst(%dma_wait3A_94 : memref<26x128xf32, #tpu.memory_space<vmem>>)
    %dma_wait3A_101 = arith.constant 2 : i32
    %dma_wait3A_102 = arith.constant 64 : i32
    %dma_wait3A_103 = arith.constant 0 : i32
    %dma_wait3A_104 = tpu.memref_slice %arg6[%dma_wait3A_102, %dma_wait3A_103] : memref<256x128xf32, #tpu.memory_space<vmem>> -> memref<26x128xf32, #tpu.memory_space<vmem>>
    %dma_wait3A_105 = arith.constant 0 : i32
    %dma_wait3A_106 = tpu.memref_slice %arg5[%dma_wait3A_101, %dma_wait3A_105] : memref<512x26xi32, #tpu.memory_space<vmem>> -> memref<1x26xi32, #tpu.memory_space<vmem>>
    %dma_wait3A_107 = tpu.memref_squeeze %dma_wait3A_106 : memref<1x26xi32, #tpu.memory_space<vmem>> -> memref<26xi32, #tpu.memory_space<vmem>>
    %dma_wait3A_108 = arith.constant 0 : i32
    %dma_wait3A_109 = arith.constant 0 : i32
    %dma_wait3A_110 = tpu.memref_slice %arg3[%dma_wait3A_108, %dma_wait3A_109] : memref<1000000x128xf32, #tpu.memory_space<hbm>> -> memref<1000000x128xf32, #tpu.memory_space<hbm>>
    tpu.wait_indirect_dma semaphore(%arg8 : memref<!tpu.dma_semaphore, #tpu.memory_space<semaphore_mem>>) src(%dma_wait3A_110 : memref<1000000x128xf32, #tpu.memory_space<hbm>>) dst(%dma_wait3A_104 : memref<26x128xf32, #tpu.memory_space<vmem>>)
    %dma_wait3A_111 = arith.constant 3 : i32
    %dma_wait3A_112 = arith.constant 96 : i32
    %dma_wait3A_113 = arith.constant 0 : i32
    %dma_wait3A_114 = tpu.memref_slice %arg6[%dma_wait3A_112, %dma_wait3A_113] : memref<256x128xf32, #tpu.memory_space<vmem>> -> memref<26x128xf32, #tpu.memory_space<vmem>>
    %dma_wait3A_115 = arith.constant 0 : i32
    %dma_wait3A_116 = tpu.memref_slice %arg5[%dma_wait3A_111, %dma_wait3A_115] : memref<512x26xi32, #tpu.memory_space<vmem>> -> memref<1x26xi32, #tpu.memory_space<vmem>>
    %dma_wait3A_117 = tpu.memref_squeeze %dma_wait3A_116 : memref<1x26xi32, #tpu.memory_space<vmem>> -> memref<26xi32, #tpu.memory_space<vmem>>
    %dma_wait3A_118 = arith.constant 0 : i32
    %dma_wait3A_119 = arith.constant 0 : i32
    %dma_wait3A_120 = tpu.memref_slice %arg3[%dma_wait3A_118, %dma_wait3A_119] : memref<1000000x128xf32, #tpu.memory_space<hbm>> -> memref<1000000x128xf32, #tpu.memory_space<hbm>>
    tpu.wait_indirect_dma semaphore(%arg8 : memref<!tpu.dma_semaphore, #tpu.memory_space<semaphore_mem>>) src(%dma_wait3A_120 : memref<1000000x128xf32, #tpu.memory_space<hbm>>) dst(%dma_wait3A_114 : memref<26x128xf32, #tpu.memory_space<vmem>>)
    %dma_wait3A_121 = arith.constant 4 : i32
    %dma_wait3A_122 = arith.constant 128 : i32
    %dma_wait3A_123 = arith.constant 0 : i32
    %dma_wait3A_124 = tpu.memref_slice %arg6[%dma_wait3A_122, %dma_wait3A_123] : memref<256x128xf32, #tpu.memory_space<vmem>> -> memref<26x128xf32, #tpu.memory_space<vmem>>
    %dma_wait3A_125 = arith.constant 0 : i32
    %dma_wait3A_126 = tpu.memref_slice %arg5[%dma_wait3A_121, %dma_wait3A_125] : memref<512x26xi32, #tpu.memory_space<vmem>> -> memref<1x26xi32, #tpu.memory_space<vmem>>
    %dma_wait3A_127 = tpu.memref_squeeze %dma_wait3A_126 : memref<1x26xi32, #tpu.memory_space<vmem>> -> memref<26xi32, #tpu.memory_space<vmem>>
    %dma_wait3A_128 = arith.constant 0 : i32
    %dma_wait3A_129 = arith.constant 0 : i32
    %dma_wait3A_130 = tpu.memref_slice %arg3[%dma_wait3A_128, %dma_wait3A_129] : memref<1000000x128xf32, #tpu.memory_space<hbm>> -> memref<1000000x128xf32, #tpu.memory_space<hbm>>
    tpu.wait_indirect_dma semaphore(%arg8 : memref<!tpu.dma_semaphore, #tpu.memory_space<semaphore_mem>>) src(%dma_wait3A_130 : memref<1000000x128xf32, #tpu.memory_space<hbm>>) dst(%dma_wait3A_124 : memref<26x128xf32, #tpu.memory_space<vmem>>)
    %dma_wait3A_131 = arith.constant 5 : i32
    %dma_wait3A_132 = arith.constant 160 : i32
    %dma_wait3A_133 = arith.constant 0 : i32
    %dma_wait3A_134 = tpu.memref_slice %arg6[%dma_wait3A_132, %dma_wait3A_133] : memref<256x128xf32, #tpu.memory_space<vmem>> -> memref<26x128xf32, #tpu.memory_space<vmem>>
    %dma_wait3A_135 = arith.constant 0 : i32
    %dma_wait3A_136 = tpu.memref_slice %arg5[%dma_wait3A_131, %dma_wait3A_135] : memref<512x26xi32, #tpu.memory_space<vmem>> -> memref<1x26xi32, #tpu.memory_space<vmem>>
    %dma_wait3A_137 = tpu.memref_squeeze %dma_wait3A_136 : memref<1x26xi32, #tpu.memory_space<vmem>> -> memref<26xi32, #tpu.memory_space<vmem>>
    %dma_wait3A_138 = arith.constant 0 : i32
    %dma_wait3A_139 = arith.constant 0 : i32
    %dma_wait3A_140 = tpu.memref_slice %arg3[%dma_wait3A_138, %dma_wait3A_139] : memref<1000000x128xf32, #tpu.memory_space<hbm>> -> memref<1000000x128xf32, #tpu.memory_space<hbm>>
    tpu.wait_indirect_dma semaphore(%arg8 : memref<!tpu.dma_semaphore, #tpu.memory_space<semaphore_mem>>) src(%dma_wait3A_140 : memref<1000000x128xf32, #tpu.memory_space<hbm>>) dst(%dma_wait3A_134 : memref<26x128xf32, #tpu.memory_space<vmem>>)
    %dma_wait3A_141 = arith.constant 6 : i32
    %dma_wait3A_142 = arith.constant 192 : i32
    %dma_wait3A_143 = arith.constant 0 : i32
    %dma_wait3A_144 = tpu.memref_slice %arg6[%dma_wait3A_142, %dma_wait3A_143] : memref<256x128xf32, #tpu.memory_space<vmem>> -> memref<26x128xf32, #tpu.memory_space<vmem>>
    %dma_wait3A_145 = arith.constant 0 : i32
    %dma_wait3A_146 = tpu.memref_slice %arg5[%dma_wait3A_141, %dma_wait3A_145] : memref<512x26xi32, #tpu.memory_space<vmem>> -> memref<1x26xi32, #tpu.memory_space<vmem>>
    %dma_wait3A_147 = tpu.memref_squeeze %dma_wait3A_146 : memref<1x26xi32, #tpu.memory_space<vmem>> -> memref<26xi32, #tpu.memory_space<vmem>>
    %dma_wait3A_148 = arith.constant 0 : i32
    %dma_wait3A_149 = arith.constant 0 : i32
    %dma_wait3A_150 = tpu.memref_slice %arg3[%dma_wait3A_148, %dma_wait3A_149] : memref<1000000x128xf32, #tpu.memory_space<hbm>> -> memref<1000000x128xf32, #tpu.memory_space<hbm>>
    tpu.wait_indirect_dma semaphore(%arg8 : memref<!tpu.dma_semaphore, #tpu.memory_space<semaphore_mem>>) src(%dma_wait3A_150 : memref<1000000x128xf32, #tpu.memory_space<hbm>>) dst(%dma_wait3A_144 : memref<26x128xf32, #tpu.memory_space<vmem>>)
    %dma_wait3A_151 = arith.constant 7 : i32
    %dma_wait3A_152 = arith.constant 224 : i32
    %dma_wait3A_153 = arith.constant 0 : i32
    %dma_wait3A_154 = tpu.memref_slice %arg6[%dma_wait3A_152, %dma_wait3A_153] : memref<256x128xf32, #tpu.memory_space<vmem>> -> memref<26x128xf32, #tpu.memory_space<vmem>>
    %dma_wait3A_155 = arith.constant 0 : i32
    %dma_wait3A_156 = tpu.memref_slice %arg5[%dma_wait3A_151, %dma_wait3A_155] : memref<512x26xi32, #tpu.memory_space<vmem>> -> memref<1x26xi32, #tpu.memory_space<vmem>>
    %dma_wait3A_157 = tpu.memref_squeeze %dma_wait3A_156 : memref<1x26xi32, #tpu.memory_space<vmem>> -> memref<26xi32, #tpu.memory_space<vmem>>
    %dma_wait3A_158 = arith.constant 0 : i32
    %dma_wait3A_159 = arith.constant 0 : i32
    %dma_wait3A_160 = tpu.memref_slice %arg3[%dma_wait3A_158, %dma_wait3A_159] : memref<1000000x128xf32, #tpu.memory_space<hbm>> -> memref<1000000x128xf32, #tpu.memory_space<hbm>>
    tpu.wait_indirect_dma semaphore(%arg8 : memref<!tpu.dma_semaphore, #tpu.memory_space<semaphore_mem>>) src(%dma_wait3A_160 : memref<1000000x128xf32, #tpu.memory_space<hbm>>) dst(%dma_wait3A_154 : memref<26x128xf32, #tpu.memory_space<vmem>>)
    %dma_start3A_161 = arith.constant 8 : i32
    %dma_start3A_162 = arith.constant 0 : i32
    %dma_start3A_163 = arith.constant 0 : i32
    %dma_start3A_164 = tpu.memref_slice %arg7[%dma_start3A_162, %dma_start3A_163] : memref<256x128xf32, #tpu.memory_space<vmem>> -> memref<26x128xf32, #tpu.memory_space<vmem>>
    %dma_start3A_165 = arith.constant 0 : i32
    %dma_start3A_166 = tpu.memref_slice %arg5[%dma_start3A_161, %dma_start3A_165] : memref<512x26xi32, #tpu.memory_space<vmem>> -> memref<1x26xi32, #tpu.memory_space<vmem>>
    %dma_start3A_167 = tpu.memref_squeeze %dma_start3A_166 : memref<1x26xi32, #tpu.memory_space<vmem>> -> memref<26xi32, #tpu.memory_space<vmem>>
    %dma_start3A_168 = arith.constant 0 : i32
    %dma_start3A_169 = arith.constant 0 : i32
    %dma_start3A_170 = tpu.memref_slice %arg3[%dma_start3A_168, %dma_start3A_169] : memref<1000000x128xf32, #tpu.memory_space<hbm>> -> memref<1000000x128xf32, #tpu.memory_space<hbm>>
    tpu.enqueue_indirect_dma source(%dma_start3A_170 : memref<1000000x128xf32, #tpu.memory_space<hbm>>) target(%dma_start3A_164 : memref<26x128xf32, #tpu.memory_space<vmem>>) offsets(%dma_start3A_167 : memref<26xi32, #tpu.memory_space<vmem>>) semaphore(%arg8 : memref<!tpu.dma_semaphore, #tpu.memory_space<semaphore_mem>>)
    %dma_start3A_171 = arith.constant 9 : i32
    %dma_start3A_172 = arith.constant 32 : i32
    %dma_start3A_173 = arith.constant 0 : i32
    %dma_start3A_174 = tpu.memref_slice %arg7[%dma_start3A_172, %dma_start3A_173] : memref<256x128xf32, #tpu.memory_space<vmem>> -> memref<26x128xf32, #tpu.memory_space<vmem>>
    %dma_start3A_175 = arith.constant 0 : i32
    %dma_start3A_176 = tpu.memref_slice %arg5[%dma_start3A_171, %dma_start3A_175] : memref<512x26xi32, #tpu.memory_space<vmem>> -> memref<1x26xi32, #tpu.memory_space<vmem>>
    %dma_start3A_177 = tpu.memref_squeeze %dma_start3A_176 : memref<1x26xi32, #tpu.memory_space<vmem>> -> memref<26xi32, #tpu.memory_space<vmem>>
    %dma_start3A_178 = arith.constant 0 : i32
    %dma_start3A_179 = arith.constant 0 : i32
    %dma_start3A_180 = tpu.memref_slice %arg3[%dma_start3A_178, %dma_start3A_179] : memref<1000000x128xf32, #tpu.memory_space<hbm>> -> memref<1000000x128xf32, #tpu.memory_space<hbm>>
    tpu.enqueue_indirect_dma source(%dma_start3A_180 : memref<1000000x128xf32, #tpu.memory_space<hbm>>) target(%dma_start3A_174 : memref<26x128xf32, #tpu.memory_space<vmem>>) offsets(%dma_start3A_177 : memref<26xi32, #tpu.memory_space<vmem>>) semaphore(%arg8 : memref<!tpu.dma_semaphore, #tpu.memory_space<semaphore_mem>>)
    %dma_start3A_181 = arith.constant 10 : i32
    %dma_start3A_182 = arith.constant 64 : i32
    %dma_start3A_183 = arith.constant 0 : i32
    %dma_start3A_184 = tpu.memref_slice %arg7[%dma_start3A_182, %dma_start3A_183] : memref<256x128xf32, #tpu.memory_space<vmem>> -> memref<26x128xf32, #tpu.memory_space<vmem>>
    %dma_start3A_185 = arith.constant 0 : i32
    %dma_start3A_186 = tpu.memref_slice %arg5[%dma_start3A_181, %dma_start3A_185] : memref<512x26xi32, #tpu.memory_space<vmem>> -> memref<1x26xi32, #tpu.memory_space<vmem>>
    %dma_start3A_187 = tpu.memref_squeeze %dma_start3A_186 : memref<1x26xi32, #tpu.memory_space<vmem>> -> memref<26xi32, #tpu.memory_space<vmem>>
    %dma_start3A_188 = arith.constant 0 : i32
    %dma_start3A_189 = arith.constant 0 : i32
    %dma_start3A_190 = tpu.memref_slice %arg3[%dma_start3A_188, %dma_start3A_189] : memref<1000000x128xf32, #tpu.memory_space<hbm>> -> memref<1000000x128xf32, #tpu.memory_space<hbm>>
    tpu.enqueue_indirect_dma source(%dma_start3A_190 : memref<1000000x128xf32, #tpu.memory_space<hbm>>) target(%dma_start3A_184 : memref<26x128xf32, #tpu.memory_space<vmem>>) offsets(%dma_start3A_187 : memref<26xi32, #tpu.memory_space<vmem>>) semaphore(%arg8 : memref<!tpu.dma_semaphore, #tpu.memory_space<semaphore_mem>>)
    %dma_start3A_191 = arith.constant 11 : i32
    %dma_start3A_192 = arith.constant 96 : i32
    %dma_start3A_193 = arith.constant 0 : i32
    %dma_start3A_194 = tpu.memref_slice %arg7[%dma_start3A_192, %dma_start3A_193] : memref<256x128xf32, #tpu.memory_space<vmem>> -> memref<26x128xf32, #tpu.memory_space<vmem>>
    %dma_start3A_195 = arith.constant 0 : i32
    %dma_start3A_196 = tpu.memref_slice %arg5[%dma_start3A_191, %dma_start3A_195] : memref<512x26xi32, #tpu.memory_space<vmem>> -> memref<1x26xi32, #tpu.memory_space<vmem>>
    %dma_start3A_197 = tpu.memref_squeeze %dma_start3A_196 : memref<1x26xi32, #tpu.memory_space<vmem>> -> memref<26xi32, #tpu.memory_space<vmem>>
    %dma_start3A_198 = arith.constant 0 : i32
    %dma_start3A_199 = arith.constant 0 : i32
    %dma_start3A_200 = tpu.memref_slice %arg3[%dma_start3A_198, %dma_start3A_199] : memref<1000000x128xf32, #tpu.memory_space<hbm>> -> memref<1000000x128xf32, #tpu.memory_space<hbm>>
    tpu.enqueue_indirect_dma source(%dma_start3A_200 : memref<1000000x128xf32, #tpu.memory_space<hbm>>) target(%dma_start3A_194 : memref<26x128xf32, #tpu.memory_space<vmem>>) offsets(%dma_start3A_197 : memref<26xi32, #tpu.memory_space<vmem>>) semaphore(%arg8 : memref<!tpu.dma_semaphore, #tpu.memory_space<semaphore_mem>>)
    %dma_start3A_201 = arith.constant 12 : i32
    %dma_start3A_202 = arith.constant 128 : i32
    %dma_start3A_203 = arith.constant 0 : i32
    %dma_start3A_204 = tpu.memref_slice %arg7[%dma_start3A_202, %dma_start3A_203] : memref<256x128xf32, #tpu.memory_space<vmem>> -> memref<26x128xf32, #tpu.memory_space<vmem>>
    %dma_start3A_205 = arith.constant 0 : i32
    %dma_start3A_206 = tpu.memref_slice %arg5[%dma_start3A_201, %dma_start3A_205] : memref<512x26xi32, #tpu.memory_space<vmem>> -> memref<1x26xi32, #tpu.memory_space<vmem>>
    %dma_start3A_207 = tpu.memref_squeeze %dma_start3A_206 : memref<1x26xi32, #tpu.memory_space<vmem>> -> memref<26xi32, #tpu.memory_space<vmem>>
    %dma_start3A_208 = arith.constant 0 : i32
    %dma_start3A_209 = arith.constant 0 : i32
    %dma_start3A_210 = tpu.memref_slice %arg3[%dma_start3A_208, %dma_start3A_209] : memref<1000000x128xf32, #tpu.memory_space<hbm>> -> memref<1000000x128xf32, #tpu.memory_space<hbm>>
    tpu.enqueue_indirect_dma source(%dma_start3A_210 : memref<1000000x128xf32, #tpu.memory_space<hbm>>) target(%dma_start3A_204 : memref<26x128xf32, #tpu.memory_space<vmem>>) offsets(%dma_start3A_207 : memref<26xi32, #tpu.memory_space<vmem>>) semaphore(%arg8 : memref<!tpu.dma_semaphore, #tpu.memory_space<semaphore_mem>>)
    %dma_start3A_211 = arith.constant 13 : i32
    %dma_start3A_212 = arith.constant 160 : i32
    %dma_start3A_213 = arith.constant 0 : i32
    %dma_start3A_214 = tpu.memref_slice %arg7[%dma_start3A_212, %dma_start3A_213] : memref<256x128xf32, #tpu.memory_space<vmem>> -> memref<26x128xf32, #tpu.memory_space<vmem>>
    %dma_start3A_215 = arith.constant 0 : i32
    %dma_start3A_216 = tpu.memref_slice %arg5[%dma_start3A_211, %dma_start3A_215] : memref<512x26xi32, #tpu.memory_space<vmem>> -> memref<1x26xi32, #tpu.memory_space<vmem>>
    %dma_start3A_217 = tpu.memref_squeeze %dma_start3A_216 : memref<1x26xi32, #tpu.memory_space<vmem>> -> memref<26xi32, #tpu.memory_space<vmem>>
    %dma_start3A_218 = arith.constant 0 : i32
    %dma_start3A_219 = arith.constant 0 : i32
    %dma_start3A_220 = tpu.memref_slice %arg3[%dma_start3A_218, %dma_start3A_219] : memref<1000000x128xf32, #tpu.memory_space<hbm>> -> memref<1000000x128xf32, #tpu.memory_space<hbm>>
    tpu.enqueue_indirect_dma source(%dma_start3A_220 : memref<1000000x128xf32, #tpu.memory_space<hbm>>) target(%dma_start3A_214 : memref<26x128xf32, #tpu.memory_space<vmem>>) offsets(%dma_start3A_217 : memref<26xi32, #tpu.memory_space<vmem>>) semaphore(%arg8 : memref<!tpu.dma_semaphore, #tpu.memory_space<semaphore_mem>>)
    %dma_start3A_221 = arith.constant 14 : i32
    %dma_start3A_222 = arith.constant 192 : i32
    %dma_start3A_223 = arith.constant 0 : i32
    %dma_start3A_224 = tpu.memref_slice %arg7[%dma_start3A_222, %dma_start3A_223] : memref<256x128xf32, #tpu.memory_space<vmem>> -> memref<26x128xf32, #tpu.memory_space<vmem>>
    %dma_start3A_225 = arith.constant 0 : i32
    %dma_start3A_226 = tpu.memref_slice %arg5[%dma_start3A_221, %dma_start3A_225] : memref<512x26xi32, #tpu.memory_space<vmem>> -> memref<1x26xi32, #tpu.memory_space<vmem>>
    %dma_start3A_227 = tpu.memref_squeeze %dma_start3A_226 : memref<1x26xi32, #tpu.memory_space<vmem>> -> memref<26xi32, #tpu.memory_space<vmem>>
    %dma_start3A_228 = arith.constant 0 : i32
    %dma_start3A_229 = arith.constant 0 : i32
    %dma_start3A_230 = tpu.memref_slice %arg3[%dma_start3A_228, %dma_start3A_229] : memref<1000000x128xf32, #tpu.memory_space<hbm>> -> memref<1000000x128xf32, #tpu.memory_space<hbm>>
    tpu.enqueue_indirect_dma source(%dma_start3A_230 : memref<1000000x128xf32, #tpu.memory_space<hbm>>) target(%dma_start3A_224 : memref<26x128xf32, #tpu.memory_space<vmem>>) offsets(%dma_start3A_227 : memref<26xi32, #tpu.memory_space<vmem>>) semaphore(%arg8 : memref<!tpu.dma_semaphore, #tpu.memory_space<semaphore_mem>>)
    %dma_start3A_231 = arith.constant 15 : i32
    %dma_start3A_232 = arith.constant 224 : i32
    %dma_start3A_233 = arith.constant 0 : i32
    %dma_start3A_234 = tpu.memref_slice %arg7[%dma_start3A_232, %dma_start3A_233] : memref<256x128xf32, #tpu.memory_space<vmem>> -> memref<26x128xf32, #tpu.memory_space<vmem>>
    %dma_start3A_235 = arith.constant 0 : i32
    %dma_start3A_236 = tpu.memref_slice %arg5[%dma_start3A_231, %dma_start3A_235] : memref<512x26xi32, #tpu.memory_space<vmem>> -> memref<1x26xi32, #tpu.memory_space<vmem>>
    %dma_start3A_237 = tpu.memref_squeeze %dma_start3A_236 : memref<1x26xi32, #tpu.memory_space<vmem>> -> memref<26xi32, #tpu.memory_space<vmem>>
    %dma_start3A_238 = arith.constant 0 : i32
    %dma_start3A_239 = arith.constant 0 : i32
    %dma_start3A_240 = tpu.memref_slice %arg3[%dma_start3A_238, %dma_start3A_239] : memref<1000000x128xf32, #tpu.memory_space<hbm>> -> memref<1000000x128xf32, #tpu.memory_space<hbm>>
    tpu.enqueue_indirect_dma source(%dma_start3A_240 : memref<1000000x128xf32, #tpu.memory_space<hbm>>) target(%dma_start3A_234 : memref<26x128xf32, #tpu.memory_space<vmem>>) offsets(%dma_start3A_237 : memref<26xi32, #tpu.memory_space<vmem>>) semaphore(%arg8 : memref<!tpu.dma_semaphore, #tpu.memory_space<semaphore_mem>>)
    %add3A_241 = arith.constant 0 : i32
    %add3A_242 = arith.addi %mul3A_2, %add3A_241 : i32
    %mul3A_243 = arith.constant 32 : i32
    %mul3A_244 = arith.muli %add3A_242, %mul3A_243 : i32
    %dma_start3A_245 = arith.constant 0 : i32
    %dma_start3A_246 = tpu.memref_slice %arg4[%mul3A_244, %dma_start3A_245] : memref<524288x128xf32, #tpu.memory_space<hbm>> -> memref<256x128xf32, #tpu.memory_space<hbm>>
    %dma_start3A_247 = arith.constant 0 : i32
    %dma_start3A_248 = tpu.memref_slice %arg4[%mul3A_244, %dma_start3A_247] : memref<524288x128xf32, #tpu.memory_space<hbm>> -> memref<256x128xf32, #tpu.memory_space<hbm>>
    tpu.enqueue_dma source(%arg6 : memref<256x128xf32, #tpu.memory_space<vmem>>) target(%dma_start3A_248 : memref<256x128xf32, #tpu.memory_space<hbm>>) target_semaphore(%arg9 : memref<!tpu.dma_semaphore, #tpu.memory_space<semaphore_mem>>)
    %scan3A = arith.constant 0 : i32
    %scan3A_249 = arith.constant 0 : i32
    %scan3A_250 = arith.constant 31 : i32
    %scan3A_251 = arith.addi %scan3A_249, %scan3A_250 : i32
    %scan3A_252 = arith.constant 1 : i32
    %scan3A_253 = scf.for %scan3A_355 = %scan3A_249 to %scan3A_251 step %scan3A_252 iter_args(%scan3A_356 = %scan3A) -> (i32)  : i32 {
      %mul3A_357 = arith.constant 2 : i32
      %mul3A_358 = arith.muli %mul3A_357, %scan3A_355 : i32
      %add3A_359 = arith.constant 1 : i32
      %add3A_360 = arith.addi %mul3A_358, %add3A_359 : i32
      %dma_wait3A_361 = arith.constant 0 : i32
      %dma_wait3A_362 = arith.constant 0 : i32
      %dma_wait3A_363 = arith.constant 0 : i32
      %dma_wait3A_364 = tpu.memref_slice %arg7[%dma_wait3A_362, %dma_wait3A_363] : memref<256x128xf32, #tpu.memory_space<vmem>> -> memref<26x128xf32, #tpu.memory_space<vmem>>
      %dma_wait3A_365 = arith.constant 0 : i32
      %dma_wait3A_366 = tpu.memref_slice %arg5[%dma_wait3A_361, %dma_wait3A_365] : memref<512x26xi32, #tpu.memory_space<vmem>> -> memref<1x26xi32, #tpu.memory_space<vmem>>
      %dma_wait3A_367 = tpu.memref_squeeze %dma_wait3A_366 : memref<1x26xi32, #tpu.memory_space<vmem>> -> memref<26xi32, #tpu.memory_space<vmem>>
      %dma_wait3A_368 = arith.constant 0 : i32
      %dma_wait3A_369 = arith.constant 0 : i32
      %dma_wait3A_370 = tpu.memref_slice %arg3[%dma_wait3A_368, %dma_wait3A_369] : memref<1000000x128xf32, #tpu.memory_space<hbm>> -> memref<1000000x128xf32, #tpu.memory_space<hbm>>
      tpu.wait_indirect_dma semaphore(%arg8 : memref<!tpu.dma_semaphore, #tpu.memory_space<semaphore_mem>>) src(%dma_wait3A_370 : memref<1000000x128xf32, #tpu.memory_space<hbm>>) dst(%dma_wait3A_364 : memref<26x128xf32, #tpu.memory_space<vmem>>)
      %dma_wait3A_371 = arith.constant 1 : i32
      %dma_wait3A_372 = arith.constant 32 : i32
      %dma_wait3A_373 = arith.constant 0 : i32
      %dma_wait3A_374 = tpu.memref_slice %arg7[%dma_wait3A_372, %dma_wait3A_373] : memref<256x128xf32, #tpu.memory_space<vmem>> -> memref<26x128xf32, #tpu.memory_space<vmem>>
      %dma_wait3A_375 = arith.constant 0 : i32
      %dma_wait3A_376 = tpu.memref_slice %arg5[%dma_wait3A_371, %dma_wait3A_375] : memref<512x26xi32, #tpu.memory_space<vmem>> -> memref<1x26xi32, #tpu.memory_space<vmem>>
      %dma_wait3A_377 = tpu.memref_squeeze %dma_wait3A_376 : memref<1x26xi32, #tpu.memory_space<vmem>> -> memref<26xi32, #tpu.memory_space<vmem>>
      %dma_wait3A_378 = arith.constant 0 : i32
      %dma_wait3A_379 = arith.constant 0 : i32
      %dma_wait3A_380 = tpu.memref_slice %arg3[%dma_wait3A_378, %dma_wait3A_379] : memref<1000000x128xf32, #tpu.memory_space<hbm>> -> memref<1000000x128xf32, #tpu.memory_space<hbm>>
      tpu.wait_indirect_dma semaphore(%arg8 : memref<!tpu.dma_semaphore, #tpu.memory_space<semaphore_mem>>) src(%dma_wait3A_380 : memref<1000000x128xf32, #tpu.memory_space<hbm>>) dst(%dma_wait3A_374 : memref<26x128xf32, #tpu.memory_space<vmem>>)
      %dma_wait3A_381 = arith.constant 2 : i32
      %dma_wait3A_382 = arith.constant 64 : i32
      %dma_wait3A_383 = arith.constant 0 : i32
      %dma_wait3A_384 = tpu.memref_slice %arg7[%dma_wait3A_382, %dma_wait3A_383] : memref<256x128xf32, #tpu.memory_space<vmem>> -> memref<26x128xf32, #tpu.memory_space<vmem>>
      %dma_wait3A_385 = arith.constant 0 : i32
      %dma_wait3A_386 = tpu.memref_slice %arg5[%dma_wait3A_381, %dma_wait3A_385] : memref<512x26xi32, #tpu.memory_space<vmem>> -> memref<1x26xi32, #tpu.memory_space<vmem>>
      %dma_wait3A_387 = tpu.memref_squeeze %dma_wait3A_386 : memref<1x26xi32, #tpu.memory_space<vmem>> -> memref<26xi32, #tpu.memory_space<vmem>>
      %dma_wait3A_388 = arith.constant 0 : i32
      %dma_wait3A_389 = arith.constant 0 : i32
      %dma_wait3A_390 = tpu.memref_slice %arg3[%dma_wait3A_388, %dma_wait3A_389] : memref<1000000x128xf32, #tpu.memory_space<hbm>> -> memref<1000000x128xf32, #tpu.memory_space<hbm>>
      tpu.wait_indirect_dma semaphore(%arg8 : memref<!tpu.dma_semaphore, #tpu.memory_space<semaphore_mem>>) src(%dma_wait3A_390 : memref<1000000x128xf32, #tpu.memory_space<hbm>>) dst(%dma_wait3A_384 : memref<26x128xf32, #tpu.memory_space<vmem>>)
      %dma_wait3A_391 = arith.constant 3 : i32
      %dma_wait3A_392 = arith.constant 96 : i32
      %dma_wait3A_393 = arith.constant 0 : i32
      %dma_wait3A_394 = tpu.memref_slice %arg7[%dma_wait3A_392, %dma_wait3A_393] : memref<256x128xf32, #tpu.memory_space<vmem>> -> memref<26x128xf32, #tpu.memory_space<vmem>>
      %dma_wait3A_395 = arith.constant 0 : i32
      %dma_wait3A_396 = tpu.memref_slice %arg5[%dma_wait3A_391, %dma_wait3A_395] : memref<512x26xi32, #tpu.memory_space<vmem>> -> memref<1x26xi32, #tpu.memory_space<vmem>>
      %dma_wait3A_397 = tpu.memref_squeeze %dma_wait3A_396 : memref<1x26xi32, #tpu.memory_space<vmem>> -> memref<26xi32, #tpu.memory_space<vmem>>
      %dma_wait3A_398 = arith.constant 0 : i32
      %dma_wait3A_399 = arith.constant 0 : i32
      %dma_wait3A_400 = tpu.memref_slice %arg3[%dma_wait3A_398, %dma_wait3A_399] : memref<1000000x128xf32, #tpu.memory_space<hbm>> -> memref<1000000x128xf32, #tpu.memory_space<hbm>>
      tpu.wait_indirect_dma semaphore(%arg8 : memref<!tpu.dma_semaphore, #tpu.memory_space<semaphore_mem>>) src(%dma_wait3A_400 : memref<1000000x128xf32, #tpu.memory_space<hbm>>) dst(%dma_wait3A_394 : memref<26x128xf32, #tpu.memory_space<vmem>>)
      %dma_wait3A_401 = arith.constant 4 : i32
      %dma_wait3A_402 = arith.constant 128 : i32
      %dma_wait3A_403 = arith.constant 0 : i32
      %dma_wait3A_404 = tpu.memref_slice %arg7[%dma_wait3A_402, %dma_wait3A_403] : memref<256x128xf32, #tpu.memory_space<vmem>> -> memref<26x128xf32, #tpu.memory_space<vmem>>
      %dma_wait3A_405 = arith.constant 0 : i32
      %dma_wait3A_406 = tpu.memref_slice %arg5[%dma_wait3A_401, %dma_wait3A_405] : memref<512x26xi32, #tpu.memory_space<vmem>> -> memref<1x26xi32, #tpu.memory_space<vmem>>
      %dma_wait3A_407 = tpu.memref_squeeze %dma_wait3A_406 : memref<1x26xi32, #tpu.memory_space<vmem>> -> memref<26xi32, #tpu.memory_space<vmem>>
      %dma_wait3A_408 = arith.constant 0 : i32
      %dma_wait3A_409 = arith.constant 0 : i32
      %dma_wait3A_410 = tpu.memref_slice %arg3[%dma_wait3A_408, %dma_wait3A_409] : memref<1000000x128xf32, #tpu.memory_space<hbm>> -> memref<1000000x128xf32, #tpu.memory_space<hbm>>
      tpu.wait_indirect_dma semaphore(%arg8 : memref<!tpu.dma_semaphore, #tpu.memory_space<semaphore_mem>>) src(%dma_wait3A_410 : memref<1000000x128xf32, #tpu.memory_space<hbm>>) dst(%dma_wait3A_404 : memref<26x128xf32, #tpu.memory_space<vmem>>)
      %dma_wait3A_411 = arith.constant 5 : i32
      %dma_wait3A_412 = arith.constant 160 : i32
      %dma_wait3A_413 = arith.constant 0 : i32
      %dma_wait3A_414 = tpu.memref_slice %arg7[%dma_wait3A_412, %dma_wait3A_413] : memref<256x128xf32, #tpu.memory_space<vmem>> -> memref<26x128xf32, #tpu.memory_space<vmem>>
      %dma_wait3A_415 = arith.constant 0 : i32
      %dma_wait3A_416 = tpu.memref_slice %arg5[%dma_wait3A_411, %dma_wait3A_415] : memref<512x26xi32, #tpu.memory_space<vmem>> -> memref<1x26xi32, #tpu.memory_space<vmem>>
      %dma_wait3A_417 = tpu.memref_squeeze %dma_wait3A_416 : memref<1x26xi32, #tpu.memory_space<vmem>> -> memref<26xi32, #tpu.memory_space<vmem>>
      %dma_wait3A_418 = arith.constant 0 : i32
      %dma_wait3A_419 = arith.constant 0 : i32
      %dma_wait3A_420 = tpu.memref_slice %arg3[%dma_wait3A_418, %dma_wait3A_419] : memref<1000000x128xf32, #tpu.memory_space<hbm>> -> memref<1000000x128xf32, #tpu.memory_space<hbm>>
      tpu.wait_indirect_dma semaphore(%arg8 : memref<!tpu.dma_semaphore, #tpu.memory_space<semaphore_mem>>) src(%dma_wait3A_420 : memref<1000000x128xf32, #tpu.memory_space<hbm>>) dst(%dma_wait3A_414 : memref<26x128xf32, #tpu.memory_space<vmem>>)
      %dma_wait3A_421 = arith.constant 6 : i32
      %dma_wait3A_422 = arith.constant 192 : i32
      %dma_wait3A_423 = arith.constant 0 : i32
      %dma_wait3A_424 = tpu.memref_slice %arg7[%dma_wait3A_422, %dma_wait3A_423] : memref<256x128xf32, #tpu.memory_space<vmem>> -> memref<26x128xf32, #tpu.memory_space<vmem>>
      %dma_wait3A_425 = arith.constant 0 : i32
      %dma_wait3A_426 = tpu.memref_slice %arg5[%dma_wait3A_421, %dma_wait3A_425] : memref<512x26xi32, #tpu.memory_space<vmem>> -> memref<1x26xi32, #tpu.memory_space<vmem>>
      %dma_wait3A_427 = tpu.memref_squeeze %dma_wait3A_426 : memref<1x26xi32, #tpu.memory_space<vmem>> -> memref<26xi32, #tpu.memory_space<vmem>>
      %dma_wait3A_428 = arith.constant 0 : i32
      %dma_wait3A_429 = arith.constant 0 : i32
      %dma_wait3A_430 = tpu.memref_slice %arg3[%dma_wait3A_428, %dma_wait3A_429] : memref<1000000x128xf32, #tpu.memory_space<hbm>> -> memref<1000000x128xf32, #tpu.memory_space<hbm>>
      tpu.wait_indirect_dma semaphore(%arg8 : memref<!tpu.dma_semaphore, #tpu.memory_space<semaphore_mem>>) src(%dma_wait3A_430 : memref<1000000x128xf32, #tpu.memory_space<hbm>>) dst(%dma_wait3A_424 : memref<26x128xf32, #tpu.memory_space<vmem>>)
      %dma_wait3A_431 = arith.constant 7 : i32
      %dma_wait3A_432 = arith.constant 224 : i32
      %dma_wait3A_433 = arith.constant 0 : i32
      %dma_wait3A_434 = tpu.memref_slice %arg7[%dma_wait3A_432, %dma_wait3A_433] : memref<256x128xf32, #tpu.memory_space<vmem>> -> memref<26x128xf32, #tpu.memory_space<vmem>>
      %dma_wait3A_435 = arith.constant 0 : i32
      %dma_wait3A_436 = tpu.memref_slice %arg5[%dma_wait3A_431, %dma_wait3A_435] : memref<512x26xi32, #tpu.memory_space<vmem>> -> memref<1x26xi32, #tpu.memory_space<vmem>>
      %dma_wait3A_437 = tpu.memref_squeeze %dma_wait3A_436 : memref<1x26xi32, #tpu.memory_space<vmem>> -> memref<26xi32, #tpu.memory_space<vmem>>
      %dma_wait3A_438 = arith.constant 0 : i32
      %dma_wait3A_439 = arith.constant 0 : i32
      %dma_wait3A_440 = tpu.memref_slice %arg3[%dma_wait3A_438, %dma_wait3A_439] : memref<1000000x128xf32, #tpu.memory_space<hbm>> -> memref<1000000x128xf32, #tpu.memory_space<hbm>>
      tpu.wait_indirect_dma semaphore(%arg8 : memref<!tpu.dma_semaphore, #tpu.memory_space<semaphore_mem>>) src(%dma_wait3A_440 : memref<1000000x128xf32, #tpu.memory_space<hbm>>) dst(%dma_wait3A_434 : memref<26x128xf32, #tpu.memory_space<vmem>>)
      %dma_wait3A_441 = arith.constant 0 : i32
      %dma_wait3A_442 = arith.constant 0 : i32
      %dma_wait3A_443 = tpu.memref_slice %arg4[%dma_wait3A_441, %dma_wait3A_442] : memref<524288x128xf32, #tpu.memory_space<hbm>> -> memref<256x128xf32, #tpu.memory_space<hbm>>
      %dma_wait3A_444 = arith.constant 0 : i32
      %dma_wait3A_445 = arith.constant 0 : i32
      %dma_wait3A_446 = tpu.memref_slice %arg4[%dma_wait3A_444, %dma_wait3A_445] : memref<524288x128xf32, #tpu.memory_space<hbm>> -> memref<256x128xf32, #tpu.memory_space<hbm>>
      tpu.wait_dma2 semaphore(%arg9 : memref<!tpu.dma_semaphore, #tpu.memory_space<semaphore_mem>>) src(%arg6 : memref<256x128xf32, #tpu.memory_space<vmem>>) dst(%dma_wait3A_446 : memref<256x128xf32, #tpu.memory_space<hbm>>)
      %add3A_447 = arith.constant 1 : i32
      %add3A_448 = arith.addi %add3A_360, %add3A_447 : i32
      %mul3A_449 = arith.constant 8 : i32
      %mul3A_450 = arith.muli %add3A_448, %mul3A_449 : i32
      %add3A_451 = arith.constant 0 : i32
      %add3A_452 = arith.addi %mul3A_450, %add3A_451 : i32
      %dma_start3A_453 = arith.constant 0 : i32
      %dma_start3A_454 = arith.constant 0 : i32
      %dma_start3A_455 = tpu.memref_slice %arg6[%dma_start3A_453, %dma_start3A_454] : memref<256x128xf32, #tpu.memory_space<vmem>> -> memref<26x128xf32, #tpu.memory_space<vmem>>
      %dma_start3A_456 = arith.constant 0 : i32
      %dma_start3A_457 = tpu.memref_slice %arg5[%add3A_452, %dma_start3A_456] : memref<512x26xi32, #tpu.memory_space<vmem>> -> memref<1x26xi32, #tpu.memory_space<vmem>>
      %dma_start3A_458 = tpu.memref_squeeze %dma_start3A_457 : memref<1x26xi32, #tpu.memory_space<vmem>> -> memref<26xi32, #tpu.memory_space<vmem>>
      %dma_start3A_459 = arith.constant 0 : i32
      %dma_start3A_460 = arith.constant 0 : i32
      %dma_start3A_461 = tpu.memref_slice %arg3[%dma_start3A_459, %dma_start3A_460] : memref<1000000x128xf32, #tpu.memory_space<hbm>> -> memref<1000000x128xf32, #tpu.memory_space<hbm>>
      tpu.enqueue_indirect_dma source(%dma_start3A_461 : memref<1000000x128xf32, #tpu.memory_space<hbm>>) target(%dma_start3A_455 : memref<26x128xf32, #tpu.memory_space<vmem>>) offsets(%dma_start3A_458 : memref<26xi32, #tpu.memory_space<vmem>>) semaphore(%arg8 : memref<!tpu.dma_semaphore, #tpu.memory_space<semaphore_mem>>)
      %mul3A_462 = arith.constant 8 : i32
      %mul3A_463 = arith.muli %add3A_448, %mul3A_462 : i32
      %add3A_464 = arith.constant 1 : i32
      %add3A_465 = arith.addi %mul3A_463, %add3A_464 : i32
      %dma_start3A_466 = arith.constant 32 : i32
      %dma_start3A_467 = arith.constant 0 : i32
      %dma_start3A_468 = tpu.memref_slice %arg6[%dma_start3A_466, %dma_start3A_467] : memref<256x128xf32, #tpu.memory_space<vmem>> -> memref<26x128xf32, #tpu.memory_space<vmem>>
      %dma_start3A_469 = arith.constant 0 : i32
      %dma_start3A_470 = tpu.memref_slice %arg5[%add3A_465, %dma_start3A_469] : memref<512x26xi32, #tpu.memory_space<vmem>> -> memref<1x26xi32, #tpu.memory_space<vmem>>
      %dma_start3A_471 = tpu.memref_squeeze %dma_start3A_470 : memref<1x26xi32, #tpu.memory_space<vmem>> -> memref<26xi32, #tpu.memory_space<vmem>>
      %dma_start3A_472 = arith.constant 0 : i32
      %dma_start3A_473 = arith.constant 0 : i32
      %dma_start3A_474 = tpu.memref_slice %arg3[%dma_start3A_472, %dma_start3A_473] : memref<1000000x128xf32, #tpu.memory_space<hbm>> -> memref<1000000x128xf32, #tpu.memory_space<hbm>>
      tpu.enqueue_indirect_dma source(%dma_start3A_474 : memref<1000000x128xf32, #tpu.memory_space<hbm>>) target(%dma_start3A_468 : memref<26x128xf32, #tpu.memory_space<vmem>>) offsets(%dma_start3A_471 : memref<26xi32, #tpu.memory_space<vmem>>) semaphore(%arg8 : memref<!tpu.dma_semaphore, #tpu.memory_space<semaphore_mem>>)
      %mul3A_475 = arith.constant 8 : i32
      %mul3A_476 = arith.muli %add3A_448, %mul3A_475 : i32
      %add3A_477 = arith.constant 2 : i32
      %add3A_478 = arith.addi %mul3A_476, %add3A_477 : i32
      %dma_start3A_479 = arith.constant 64 : i32
      %dma_start3A_480 = arith.constant 0 : i32
      %dma_start3A_481 = tpu.memref_slice %arg6[%dma_start3A_479, %dma_start3A_480] : memref<256x128xf32, #tpu.memory_space<vmem>> -> memref<26x128xf32, #tpu.memory_space<vmem>>
      %dma_start3A_482 = arith.constant 0 : i32
      %dma_start3A_483 = tpu.memref_slice %arg5[%add3A_478, %dma_start3A_482] : memref<512x26xi32, #tpu.memory_space<vmem>> -> memref<1x26xi32, #tpu.memory_space<vmem>>
      %dma_start3A_484 = tpu.memref_squeeze %dma_start3A_483 : memref<1x26xi32, #tpu.memory_space<vmem>> -> memref<26xi32, #tpu.memory_space<vmem>>
      %dma_start3A_485 = arith.constant 0 : i32
      %dma_start3A_486 = arith.constant 0 : i32
      %dma_start3A_487 = tpu.memref_slice %arg3[%dma_start3A_485, %dma_start3A_486] : memref<1000000x128xf32, #tpu.memory_space<hbm>> -> memref<1000000x128xf32, #tpu.memory_space<hbm>>
      tpu.enqueue_indirect_dma source(%dma_start3A_487 : memref<1000000x128xf32, #tpu.memory_space<hbm>>) target(%dma_start3A_481 : memref<26x128xf32, #tpu.memory_space<vmem>>) offsets(%dma_start3A_484 : memref<26xi32, #tpu.memory_space<vmem>>) semaphore(%arg8 : memref<!tpu.dma_semaphore, #tpu.memory_space<semaphore_mem>>)
      %mul3A_488 = arith.constant 8 : i32
      %mul3A_489 = arith.muli %add3A_448, %mul3A_488 : i32
      %add3A_490 = arith.constant 3 : i32
      %add3A_491 = arith.addi %mul3A_489, %add3A_490 : i32
      %dma_start3A_492 = arith.constant 96 : i32
      %dma_start3A_493 = arith.constant 0 : i32
      %dma_start3A_494 = tpu.memref_slice %arg6[%dma_start3A_492, %dma_start3A_493] : memref<256x128xf32, #tpu.memory_space<vmem>> -> memref<26x128xf32, #tpu.memory_space<vmem>>
      %dma_start3A_495 = arith.constant 0 : i32
      %dma_start3A_496 = tpu.memref_slice %arg5[%add3A_491, %dma_start3A_495] : memref<512x26xi32, #tpu.memory_space<vmem>> -> memref<1x26xi32, #tpu.memory_space<vmem>>
      %dma_start3A_497 = tpu.memref_squeeze %dma_start3A_496 : memref<1x26xi32, #tpu.memory_space<vmem>> -> memref<26xi32, #tpu.memory_space<vmem>>
      %dma_start3A_498 = arith.constant 0 : i32
      %dma_start3A_499 = arith.constant 0 : i32
      %dma_start3A_500 = tpu.memref_slice %arg3[%dma_start3A_498, %dma_start3A_499] : memref<1000000x128xf32, #tpu.memory_space<hbm>> -> memref<1000000x128xf32, #tpu.memory_space<hbm>>
      tpu.enqueue_indirect_dma source(%dma_start3A_500 : memref<1000000x128xf32, #tpu.memory_space<hbm>>) target(%dma_start3A_494 : memref<26x128xf32, #tpu.memory_space<vmem>>) offsets(%dma_start3A_497 : memref<26xi32, #tpu.memory_space<vmem>>) semaphore(%arg8 : memref<!tpu.dma_semaphore, #tpu.memory_space<semaphore_mem>>)
      %mul3A_501 = arith.constant 8 : i32
      %mul3A_502 = arith.muli %add3A_448, %mul3A_501 : i32
      %add3A_503 = arith.constant 4 : i32
      %add3A_504 = arith.addi %mul3A_502, %add3A_503 : i32
      %dma_start3A_505 = arith.constant 128 : i32
      %dma_start3A_506 = arith.constant 0 : i32
      %dma_start3A_507 = tpu.memref_slice %arg6[%dma_start3A_505, %dma_start3A_506] : memref<256x128xf32, #tpu.memory_space<vmem>> -> memref<26x128xf32, #tpu.memory_space<vmem>>
      %dma_start3A_508 = arith.constant 0 : i32
      %dma_start3A_509 = tpu.memref_slice %arg5[%add3A_504, %dma_start3A_508] : memref<512x26xi32, #tpu.memory_space<vmem>> -> memref<1x26xi32, #tpu.memory_space<vmem>>
      %dma_start3A_510 = tpu.memref_squeeze %dma_start3A_509 : memref<1x26xi32, #tpu.memory_space<vmem>> -> memref<26xi32, #tpu.memory_space<vmem>>
      %dma_start3A_511 = arith.constant 0 : i32
      %dma_start3A_512 = arith.constant 0 : i32
      %dma_start3A_513 = tpu.memref_slice %arg3[%dma_start3A_511, %dma_start3A_512] : memref<1000000x128xf32, #tpu.memory_space<hbm>> -> memref<1000000x128xf32, #tpu.memory_space<hbm>>
      tpu.enqueue_indirect_dma source(%dma_start3A_513 : memref<1000000x128xf32, #tpu.memory_space<hbm>>) target(%dma_start3A_507 : memref<26x128xf32, #tpu.memory_space<vmem>>) offsets(%dma_start3A_510 : memref<26xi32, #tpu.memory_space<vmem>>) semaphore(%arg8 : memref<!tpu.dma_semaphore, #tpu.memory_space<semaphore_mem>>)
      %mul3A_514 = arith.constant 8 : i32
      %mul3A_515 = arith.muli %add3A_448, %mul3A_514 : i32
      %add3A_516 = arith.constant 5 : i32
      %add3A_517 = arith.addi %mul3A_515, %add3A_516 : i32
      %dma_start3A_518 = arith.constant 160 : i32
      %dma_start3A_519 = arith.constant 0 : i32
      %dma_start3A_520 = tpu.memref_slice %arg6[%dma_start3A_518, %dma_start3A_519] : memref<256x128xf32, #tpu.memory_space<vmem>> -> memref<26x128xf32, #tpu.memory_space<vmem>>
      %dma_start3A_521 = arith.constant 0 : i32
      %dma_start3A_522 = tpu.memref_slice %arg5[%add3A_517, %dma_start3A_521] : memref<512x26xi32, #tpu.memory_space<vmem>> -> memref<1x26xi32, #tpu.memory_space<vmem>>
      %dma_start3A_523 = tpu.memref_squeeze %dma_start3A_522 : memref<1x26xi32, #tpu.memory_space<vmem>> -> memref<26xi32, #tpu.memory_space<vmem>>
      %dma_start3A_524 = arith.constant 0 : i32
      %dma_start3A_525 = arith.constant 0 : i32
      %dma_start3A_526 = tpu.memref_slice %arg3[%dma_start3A_524, %dma_start3A_525] : memref<1000000x128xf32, #tpu.memory_space<hbm>> -> memref<1000000x128xf32, #tpu.memory_space<hbm>>
      tpu.enqueue_indirect_dma source(%dma_start3A_526 : memref<1000000x128xf32, #tpu.memory_space<hbm>>) target(%dma_start3A_520 : memref<26x128xf32, #tpu.memory_space<vmem>>) offsets(%dma_start3A_523 : memref<26xi32, #tpu.memory_space<vmem>>) semaphore(%arg8 : memref<!tpu.dma_semaphore, #tpu.memory_space<semaphore_mem>>)
      %mul3A_527 = arith.constant 8 : i32
      %mul3A_528 = arith.muli %add3A_448, %mul3A_527 : i32
      %add3A_529 = arith.constant 6 : i32
      %add3A_530 = arith.addi %mul3A_528, %add3A_529 : i32
      %dma_start3A_531 = arith.constant 192 : i32
      %dma_start3A_532 = arith.constant 0 : i32
      %dma_start3A_533 = tpu.memref_slice %arg6[%dma_start3A_531, %dma_start3A_532] : memref<256x128xf32, #tpu.memory_space<vmem>> -> memref<26x128xf32, #tpu.memory_space<vmem>>
      %dma_start3A_534 = arith.constant 0 : i32
      %dma_start3A_535 = tpu.memref_slice %arg5[%add3A_530, %dma_start3A_534] : memref<512x26xi32, #tpu.memory_space<vmem>> -> memref<1x26xi32, #tpu.memory_space<vmem>>
      %dma_start3A_536 = tpu.memref_squeeze %dma_start3A_535 : memref<1x26xi32, #tpu.memory_space<vmem>> -> memref<26xi32, #tpu.memory_space<vmem>>
      %dma_start3A_537 = arith.constant 0 : i32
      %dma_start3A_538 = arith.constant 0 : i32
      %dma_start3A_539 = tpu.memref_slice %arg3[%dma_start3A_537, %dma_start3A_538] : memref<1000000x128xf32, #tpu.memory_space<hbm>> -> memref<1000000x128xf32, #tpu.memory_space<hbm>>
      tpu.enqueue_indirect_dma source(%dma_start3A_539 : memref<1000000x128xf32, #tpu.memory_space<hbm>>) target(%dma_start3A_533 : memref<26x128xf32, #tpu.memory_space<vmem>>) offsets(%dma_start3A_536 : memref<26xi32, #tpu.memory_space<vmem>>) semaphore(%arg8 : memref<!tpu.dma_semaphore, #tpu.memory_space<semaphore_mem>>)
      %mul3A_540 = arith.constant 8 : i32
      %mul3A_541 = arith.muli %add3A_448, %mul3A_540 : i32
      %add3A_542 = arith.constant 7 : i32
      %add3A_543 = arith.addi %mul3A_541, %add3A_542 : i32
      %dma_start3A_544 = arith.constant 224 : i32
      %dma_start3A_545 = arith.constant 0 : i32
      %dma_start3A_546 = tpu.memref_slice %arg6[%dma_start3A_544, %dma_start3A_545] : memref<256x128xf32, #tpu.memory_space<vmem>> -> memref<26x128xf32, #tpu.memory_space<vmem>>
      %dma_start3A_547 = arith.constant 0 : i32
      %dma_start3A_548 = tpu.memref_slice %arg5[%add3A_543, %dma_start3A_547] : memref<512x26xi32, #tpu.memory_space<vmem>> -> memref<1x26xi32, #tpu.memory_space<vmem>>
      %dma_start3A_549 = tpu.memref_squeeze %dma_start3A_548 : memref<1x26xi32, #tpu.memory_space<vmem>> -> memref<26xi32, #tpu.memory_space<vmem>>
      %dma_start3A_550 = arith.constant 0 : i32
      %dma_start3A_551 = arith.constant 0 : i32
      %dma_start3A_552 = tpu.memref_slice %arg3[%dma_start3A_550, %dma_start3A_551] : memref<1000000x128xf32, #tpu.memory_space<hbm>> -> memref<1000000x128xf32, #tpu.memory_space<hbm>>
      tpu.enqueue_indirect_dma source(%dma_start3A_552 : memref<1000000x128xf32, #tpu.memory_space<hbm>>) target(%dma_start3A_546 : memref<26x128xf32, #tpu.memory_space<vmem>>) offsets(%dma_start3A_549 : memref<26xi32, #tpu.memory_space<vmem>>) semaphore(%arg8 : memref<!tpu.dma_semaphore, #tpu.memory_space<semaphore_mem>>)
      %mul3A_553 = arith.constant 8 : i32
      %mul3A_554 = arith.muli %add3A_360, %mul3A_553 : i32
      %add3A_555 = arith.addi %mul3A_2, %mul3A_554 : i32
      %mul3A_556 = arith.constant 32 : i32
      %mul3A_557 = arith.muli %add3A_555, %mul3A_556 : i32
      %dma_start3A_558 = arith.constant 0 : i32
      %dma_start3A_559 = tpu.memref_slice %arg4[%mul3A_557, %dma_start3A_558] : memref<524288x128xf32, #tpu.memory_space<hbm>> -> memref<256x128xf32, #tpu.memory_space<hbm>>
      %dma_start3A_560 = arith.constant 0 : i32
      %dma_start3A_561 = tpu.memref_slice %arg4[%mul3A_557, %dma_start3A_560] : memref<524288x128xf32, #tpu.memory_space<hbm>> -> memref<256x128xf32, #tpu.memory_space<hbm>>
      tpu.enqueue_dma source(%arg7 : memref<256x128xf32, #tpu.memory_space<vmem>>) target(%dma_start3A_561 : memref<256x128xf32, #tpu.memory_space<hbm>>) target_semaphore(%arg10 : memref<!tpu.dma_semaphore, #tpu.memory_space<semaphore_mem>>)
      %mul3A_562 = arith.constant 2 : i32
      %mul3A_563 = arith.muli %mul3A_562, %scan3A_355 : i32
      %add3A_564 = arith.constant 2 : i32
      %add3A_565 = arith.addi %mul3A_563, %add3A_564 : i32
      %dma_wait3A_566 = arith.constant 0 : i32
      %dma_wait3A_567 = arith.constant 0 : i32
      %dma_wait3A_568 = arith.constant 0 : i32
      %dma_wait3A_569 = tpu.memref_slice %arg6[%dma_wait3A_567, %dma_wait3A_568] : memref<256x128xf32, #tpu.memory_space<vmem>> -> memref<26x128xf32, #tpu.memory_space<vmem>>
      %dma_wait3A_570 = arith.constant 0 : i32
      %dma_wait3A_571 = tpu.memref_slice %arg5[%dma_wait3A_566, %dma_wait3A_570] : memref<512x26xi32, #tpu.memory_space<vmem>> -> memref<1x26xi32, #tpu.memory_space<vmem>>
      %dma_wait3A_572 = tpu.memref_squeeze %dma_wait3A_571 : memref<1x26xi32, #tpu.memory_space<vmem>> -> memref<26xi32, #tpu.memory_space<vmem>>
      %dma_wait3A_573 = arith.constant 0 : i32
      %dma_wait3A_574 = arith.constant 0 : i32
      %dma_wait3A_575 = tpu.memref_slice %arg3[%dma_wait3A_573, %dma_wait3A_574] : memref<1000000x128xf32, #tpu.memory_space<hbm>> -> memref<1000000x128xf32, #tpu.memory_space<hbm>>
      tpu.wait_indirect_dma semaphore(%arg8 : memref<!tpu.dma_semaphore, #tpu.memory_space<semaphore_mem>>) src(%dma_wait3A_575 : memref<1000000x128xf32, #tpu.memory_space<hbm>>) dst(%dma_wait3A_569 : memref<26x128xf32, #tpu.memory_space<vmem>>)
      %dma_wait3A_576 = arith.constant 1 : i32
      %dma_wait3A_577 = arith.constant 32 : i32
      %dma_wait3A_578 = arith.constant 0 : i32
      %dma_wait3A_579 = tpu.memref_slice %arg6[%dma_wait3A_577, %dma_wait3A_578] : memref<256x128xf32, #tpu.memory_space<vmem>> -> memref<26x128xf32, #tpu.memory_space<vmem>>
      %dma_wait3A_580 = arith.constant 0 : i32
      %dma_wait3A_581 = tpu.memref_slice %arg5[%dma_wait3A_576, %dma_wait3A_580] : memref<512x26xi32, #tpu.memory_space<vmem>> -> memref<1x26xi32, #tpu.memory_space<vmem>>
      %dma_wait3A_582 = tpu.memref_squeeze %dma_wait3A_581 : memref<1x26xi32, #tpu.memory_space<vmem>> -> memref<26xi32, #tpu.memory_space<vmem>>
      %dma_wait3A_583 = arith.constant 0 : i32
      %dma_wait3A_584 = arith.constant 0 : i32
      %dma_wait3A_585 = tpu.memref_slice %arg3[%dma_wait3A_583, %dma_wait3A_584] : memref<1000000x128xf32, #tpu.memory_space<hbm>> -> memref<1000000x128xf32, #tpu.memory_space<hbm>>
      tpu.wait_indirect_dma semaphore(%arg8 : memref<!tpu.dma_semaphore, #tpu.memory_space<semaphore_mem>>) src(%dma_wait3A_585 : memref<1000000x128xf32, #tpu.memory_space<hbm>>) dst(%dma_wait3A_579 : memref<26x128xf32, #tpu.memory_space<vmem>>)
      %dma_wait3A_586 = arith.constant 2 : i32
      %dma_wait3A_587 = arith.constant 64 : i32
      %dma_wait3A_588 = arith.constant 0 : i32
      %dma_wait3A_589 = tpu.memref_slice %arg6[%dma_wait3A_587, %dma_wait3A_588] : memref<256x128xf32, #tpu.memory_space<vmem>> -> memref<26x128xf32, #tpu.memory_space<vmem>>
      %dma_wait3A_590 = arith.constant 0 : i32
      %dma_wait3A_591 = tpu.memref_slice %arg5[%dma_wait3A_586, %dma_wait3A_590] : memref<512x26xi32, #tpu.memory_space<vmem>> -> memref<1x26xi32, #tpu.memory_space<vmem>>
      %dma_wait3A_592 = tpu.memref_squeeze %dma_wait3A_591 : memref<1x26xi32, #tpu.memory_space<vmem>> -> memref<26xi32, #tpu.memory_space<vmem>>
      %dma_wait3A_593 = arith.constant 0 : i32
      %dma_wait3A_594 = arith.constant 0 : i32
      %dma_wait3A_595 = tpu.memref_slice %arg3[%dma_wait3A_593, %dma_wait3A_594] : memref<1000000x128xf32, #tpu.memory_space<hbm>> -> memref<1000000x128xf32, #tpu.memory_space<hbm>>
      tpu.wait_indirect_dma semaphore(%arg8 : memref<!tpu.dma_semaphore, #tpu.memory_space<semaphore_mem>>) src(%dma_wait3A_595 : memref<1000000x128xf32, #tpu.memory_space<hbm>>) dst(%dma_wait3A_589 : memref<26x128xf32, #tpu.memory_space<vmem>>)
      %dma_wait3A_596 = arith.constant 3 : i32
      %dma_wait3A_597 = arith.constant 96 : i32
      %dma_wait3A_598 = arith.constant 0 : i32
      %dma_wait3A_599 = tpu.memref_slice %arg6[%dma_wait3A_597, %dma_wait3A_598] : memref<256x128xf32, #tpu.memory_space<vmem>> -> memref<26x128xf32, #tpu.memory_space<vmem>>
      %dma_wait3A_600 = arith.constant 0 : i32
      %dma_wait3A_601 = tpu.memref_slice %arg5[%dma_wait3A_596, %dma_wait3A_600] : memref<512x26xi32, #tpu.memory_space<vmem>> -> memref<1x26xi32, #tpu.memory_space<vmem>>
      %dma_wait3A_602 = tpu.memref_squeeze %dma_wait3A_601 : memref<1x26xi32, #tpu.memory_space<vmem>> -> memref<26xi32, #tpu.memory_space<vmem>>
      %dma_wait3A_603 = arith.constant 0 : i32
      %dma_wait3A_604 = arith.constant 0 : i32
      %dma_wait3A_605 = tpu.memref_slice %arg3[%dma_wait3A_603, %dma_wait3A_604] : memref<1000000x128xf32, #tpu.memory_space<hbm>> -> memref<1000000x128xf32, #tpu.memory_space<hbm>>
      tpu.wait_indirect_dma semaphore(%arg8 : memref<!tpu.dma_semaphore, #tpu.memory_space<semaphore_mem>>) src(%dma_wait3A_605 : memref<1000000x128xf32, #tpu.memory_space<hbm>>) dst(%dma_wait3A_599 : memref<26x128xf32, #tpu.memory_space<vmem>>)
      %dma_wait3A_606 = arith.constant 4 : i32
      %dma_wait3A_607 = arith.constant 128 : i32
      %dma_wait3A_608 = arith.constant 0 : i32
      %dma_wait3A_609 = tpu.memref_slice %arg6[%dma_wait3A_607, %dma_wait3A_608] : memref<256x128xf32, #tpu.memory_space<vmem>> -> memref<26x128xf32, #tpu.memory_space<vmem>>
      %dma_wait3A_610 = arith.constant 0 : i32
      %dma_wait3A_611 = tpu.memref_slice %arg5[%dma_wait3A_606, %dma_wait3A_610] : memref<512x26xi32, #tpu.memory_space<vmem>> -> memref<1x26xi32, #tpu.memory_space<vmem>>
      %dma_wait3A_612 = tpu.memref_squeeze %dma_wait3A_611 : memref<1x26xi32, #tpu.memory_space<vmem>> -> memref<26xi32, #tpu.memory_space<vmem>>
      %dma_wait3A_613 = arith.constant 0 : i32
      %dma_wait3A_614 = arith.constant 0 : i32
      %dma_wait3A_615 = tpu.memref_slice %arg3[%dma_wait3A_613, %dma_wait3A_614] : memref<1000000x128xf32, #tpu.memory_space<hbm>> -> memref<1000000x128xf32, #tpu.memory_space<hbm>>
      tpu.wait_indirect_dma semaphore(%arg8 : memref<!tpu.dma_semaphore, #tpu.memory_space<semaphore_mem>>) src(%dma_wait3A_615 : memref<1000000x128xf32, #tpu.memory_space<hbm>>) dst(%dma_wait3A_609 : memref<26x128xf32, #tpu.memory_space<vmem>>)
      %dma_wait3A_616 = arith.constant 5 : i32
      %dma_wait3A_617 = arith.constant 160 : i32
      %dma_wait3A_618 = arith.constant 0 : i32
      %dma_wait3A_619 = tpu.memref_slice %arg6[%dma_wait3A_617, %dma_wait3A_618] : memref<256x128xf32, #tpu.memory_space<vmem>> -> memref<26x128xf32, #tpu.memory_space<vmem>>
      %dma_wait3A_620 = arith.constant 0 : i32
      %dma_wait3A_621 = tpu.memref_slice %arg5[%dma_wait3A_616, %dma_wait3A_620] : memref<512x26xi32, #tpu.memory_space<vmem>> -> memref<1x26xi32, #tpu.memory_space<vmem>>
      %dma_wait3A_622 = tpu.memref_squeeze %dma_wait3A_621 : memref<1x26xi32, #tpu.memory_space<vmem>> -> memref<26xi32, #tpu.memory_space<vmem>>
      %dma_wait3A_623 = arith.constant 0 : i32
      %dma_wait3A_624 = arith.constant 0 : i32
      %dma_wait3A_625 = tpu.memref_slice %arg3[%dma_wait3A_623, %dma_wait3A_624] : memref<1000000x128xf32, #tpu.memory_space<hbm>> -> memref<1000000x128xf32, #tpu.memory_space<hbm>>
      tpu.wait_indirect_dma semaphore(%arg8 : memref<!tpu.dma_semaphore, #tpu.memory_space<semaphore_mem>>) src(%dma_wait3A_625 : memref<1000000x128xf32, #tpu.memory_space<hbm>>) dst(%dma_wait3A_619 : memref<26x128xf32, #tpu.memory_space<vmem>>)
      %dma_wait3A_626 = arith.constant 6 : i32
      %dma_wait3A_627 = arith.constant 192 : i32
      %dma_wait3A_628 = arith.constant 0 : i32
      %dma_wait3A_629 = tpu.memref_slice %arg6[%dma_wait3A_627, %dma_wait3A_628] : memref<256x128xf32, #tpu.memory_space<vmem>> -> memref<26x128xf32, #tpu.memory_space<vmem>>
      %dma_wait3A_630 = arith.constant 0 : i32
      %dma_wait3A_631 = tpu.memref_slice %arg5[%dma_wait3A_626, %dma_wait3A_630] : memref<512x26xi32, #tpu.memory_space<vmem>> -> memref<1x26xi32, #tpu.memory_space<vmem>>
      %dma_wait3A_632 = tpu.memref_squeeze %dma_wait3A_631 : memref<1x26xi32, #tpu.memory_space<vmem>> -> memref<26xi32, #tpu.memory_space<vmem>>
      %dma_wait3A_633 = arith.constant 0 : i32
      %dma_wait3A_634 = arith.constant 0 : i32
      %dma_wait3A_635 = tpu.memref_slice %arg3[%dma_wait3A_633, %dma_wait3A_634] : memref<1000000x128xf32, #tpu.memory_space<hbm>> -> memref<1000000x128xf32, #tpu.memory_space<hbm>>
      tpu.wait_indirect_dma semaphore(%arg8 : memref<!tpu.dma_semaphore, #tpu.memory_space<semaphore_mem>>) src(%dma_wait3A_635 : memref<1000000x128xf32, #tpu.memory_space<hbm>>) dst(%dma_wait3A_629 : memref<26x128xf32, #tpu.memory_space<vmem>>)
      %dma_wait3A_636 = arith.constant 7 : i32
      %dma_wait3A_637 = arith.constant 224 : i32
      %dma_wait3A_638 = arith.constant 0 : i32
      %dma_wait3A_639 = tpu.memref_slice %arg6[%dma_wait3A_637, %dma_wait3A_638] : memref<256x128xf32, #tpu.memory_space<vmem>> -> memref<26x128xf32, #tpu.memory_space<vmem>>
      %dma_wait3A_640 = arith.constant 0 : i32
      %dma_wait3A_641 = tpu.memref_slice %arg5[%dma_wait3A_636, %dma_wait3A_640] : memref<512x26xi32, #tpu.memory_space<vmem>> -> memref<1x26xi32, #tpu.memory_space<vmem>>
      %dma_wait3A_642 = tpu.memref_squeeze %dma_wait3A_641 : memref<1x26xi32, #tpu.memory_space<vmem>> -> memref<26xi32, #tpu.memory_space<vmem>>
      %dma_wait3A_643 = arith.constant 0 : i32
      %dma_wait3A_644 = arith.constant 0 : i32
      %dma_wait3A_645 = tpu.memref_slice %arg3[%dma_wait3A_643, %dma_wait3A_644] : memref<1000000x128xf32, #tpu.memory_space<hbm>> -> memref<1000000x128xf32, #tpu.memory_space<hbm>>
      tpu.wait_indirect_dma semaphore(%arg8 : memref<!tpu.dma_semaphore, #tpu.memory_space<semaphore_mem>>) src(%dma_wait3A_645 : memref<1000000x128xf32, #tpu.memory_space<hbm>>) dst(%dma_wait3A_639 : memref<26x128xf32, #tpu.memory_space<vmem>>)
      %dma_wait3A_646 = arith.constant 0 : i32
      %dma_wait3A_647 = arith.constant 0 : i32
      %dma_wait3A_648 = tpu.memref_slice %arg4[%dma_wait3A_646, %dma_wait3A_647] : memref<524288x128xf32, #tpu.memory_space<hbm>> -> memref<256x128xf32, #tpu.memory_space<hbm>>
      %dma_wait3A_649 = arith.constant 0 : i32
      %dma_wait3A_650 = arith.constant 0 : i32
      %dma_wait3A_651 = tpu.memref_slice %arg4[%dma_wait3A_649, %dma_wait3A_650] : memref<524288x128xf32, #tpu.memory_space<hbm>> -> memref<256x128xf32, #tpu.memory_space<hbm>>
      tpu.wait_dma2 semaphore(%arg10 : memref<!tpu.dma_semaphore, #tpu.memory_space<semaphore_mem>>) src(%arg7 : memref<256x128xf32, #tpu.memory_space<vmem>>) dst(%dma_wait3A_651 : memref<256x128xf32, #tpu.memory_space<hbm>>)
      %add3A_652 = arith.constant 1 : i32
      %add3A_653 = arith.addi %add3A_565, %add3A_652 : i32
      %mul3A_654 = arith.constant 8 : i32
      %mul3A_655 = arith.muli %add3A_653, %mul3A_654 : i32
      %add3A_656 = arith.constant 0 : i32
      %add3A_657 = arith.addi %mul3A_655, %add3A_656 : i32
      %dma_start3A_658 = arith.constant 0 : i32
      %dma_start3A_659 = arith.constant 0 : i32
      %dma_start3A_660 = tpu.memref_slice %arg7[%dma_start3A_658, %dma_start3A_659] : memref<256x128xf32, #tpu.memory_space<vmem>> -> memref<26x128xf32, #tpu.memory_space<vmem>>
      %dma_start3A_661 = arith.constant 0 : i32
      %dma_start3A_662 = tpu.memref_slice %arg5[%add3A_657, %dma_start3A_661] : memref<512x26xi32, #tpu.memory_space<vmem>> -> memref<1x26xi32, #tpu.memory_space<vmem>>
      %dma_start3A_663 = tpu.memref_squeeze %dma_start3A_662 : memref<1x26xi32, #tpu.memory_space<vmem>> -> memref<26xi32, #tpu.memory_space<vmem>>
      %dma_start3A_664 = arith.constant 0 : i32
      %dma_start3A_665 = arith.constant 0 : i32
      %dma_start3A_666 = tpu.memref_slice %arg3[%dma_start3A_664, %dma_start3A_665] : memref<1000000x128xf32, #tpu.memory_space<hbm>> -> memref<1000000x128xf32, #tpu.memory_space<hbm>>
      tpu.enqueue_indirect_dma source(%dma_start3A_666 : memref<1000000x128xf32, #tpu.memory_space<hbm>>) target(%dma_start3A_660 : memref<26x128xf32, #tpu.memory_space<vmem>>) offsets(%dma_start3A_663 : memref<26xi32, #tpu.memory_space<vmem>>) semaphore(%arg8 : memref<!tpu.dma_semaphore, #tpu.memory_space<semaphore_mem>>)
      %mul3A_667 = arith.constant 8 : i32
      %mul3A_668 = arith.muli %add3A_653, %mul3A_667 : i32
      %add3A_669 = arith.constant 1 : i32
      %add3A_670 = arith.addi %mul3A_668, %add3A_669 : i32
      %dma_start3A_671 = arith.constant 32 : i32
      %dma_start3A_672 = arith.constant 0 : i32
      %dma_start3A_673 = tpu.memref_slice %arg7[%dma_start3A_671, %dma_start3A_672] : memref<256x128xf32, #tpu.memory_space<vmem>> -> memref<26x128xf32, #tpu.memory_space<vmem>>
      %dma_start3A_674 = arith.constant 0 : i32
      %dma_start3A_675 = tpu.memref_slice %arg5[%add3A_670, %dma_start3A_674] : memref<512x26xi32, #tpu.memory_space<vmem>> -> memref<1x26xi32, #tpu.memory_space<vmem>>
      %dma_start3A_676 = tpu.memref_squeeze %dma_start3A_675 : memref<1x26xi32, #tpu.memory_space<vmem>> -> memref<26xi32, #tpu.memory_space<vmem>>
      %dma_start3A_677 = arith.constant 0 : i32
      %dma_start3A_678 = arith.constant 0 : i32
      %dma_start3A_679 = tpu.memref_slice %arg3[%dma_start3A_677, %dma_start3A_678] : memref<1000000x128xf32, #tpu.memory_space<hbm>> -> memref<1000000x128xf32, #tpu.memory_space<hbm>>
      tpu.enqueue_indirect_dma source(%dma_start3A_679 : memref<1000000x128xf32, #tpu.memory_space<hbm>>) target(%dma_start3A_673 : memref<26x128xf32, #tpu.memory_space<vmem>>) offsets(%dma_start3A_676 : memref<26xi32, #tpu.memory_space<vmem>>) semaphore(%arg8 : memref<!tpu.dma_semaphore, #tpu.memory_space<semaphore_mem>>)
      %mul3A_680 = arith.constant 8 : i32
      %mul3A_681 = arith.muli %add3A_653, %mul3A_680 : i32
      %add3A_682 = arith.constant 2 : i32
      %add3A_683 = arith.addi %mul3A_681, %add3A_682 : i32
      %dma_start3A_684 = arith.constant 64 : i32
      %dma_start3A_685 = arith.constant 0 : i32
      %dma_start3A_686 = tpu.memref_slice %arg7[%dma_start3A_684, %dma_start3A_685] : memref<256x128xf32, #tpu.memory_space<vmem>> -> memref<26x128xf32, #tpu.memory_space<vmem>>
      %dma_start3A_687 = arith.constant 0 : i32
      %dma_start3A_688 = tpu.memref_slice %arg5[%add3A_683, %dma_start3A_687] : memref<512x26xi32, #tpu.memory_space<vmem>> -> memref<1x26xi32, #tpu.memory_space<vmem>>
      %dma_start3A_689 = tpu.memref_squeeze %dma_start3A_688 : memref<1x26xi32, #tpu.memory_space<vmem>> -> memref<26xi32, #tpu.memory_space<vmem>>
      %dma_start3A_690 = arith.constant 0 : i32
      %dma_start3A_691 = arith.constant 0 : i32
      %dma_start3A_692 = tpu.memref_slice %arg3[%dma_start3A_690, %dma_start3A_691] : memref<1000000x128xf32, #tpu.memory_space<hbm>> -> memref<1000000x128xf32, #tpu.memory_space<hbm>>
      tpu.enqueue_indirect_dma source(%dma_start3A_692 : memref<1000000x128xf32, #tpu.memory_space<hbm>>) target(%dma_start3A_686 : memref<26x128xf32, #tpu.memory_space<vmem>>) offsets(%dma_start3A_689 : memref<26xi32, #tpu.memory_space<vmem>>) semaphore(%arg8 : memref<!tpu.dma_semaphore, #tpu.memory_space<semaphore_mem>>)
      %mul3A_693 = arith.constant 8 : i32
      %mul3A_694 = arith.muli %add3A_653, %mul3A_693 : i32
      %add3A_695 = arith.constant 3 : i32
      %add3A_696 = arith.addi %mul3A_694, %add3A_695 : i32
      %dma_start3A_697 = arith.constant 96 : i32
      %dma_start3A_698 = arith.constant 0 : i32
      %dma_start3A_699 = tpu.memref_slice %arg7[%dma_start3A_697, %dma_start3A_698] : memref<256x128xf32, #tpu.memory_space<vmem>> -> memref<26x128xf32, #tpu.memory_space<vmem>>
      %dma_start3A_700 = arith.constant 0 : i32
      %dma_start3A_701 = tpu.memref_slice %arg5[%add3A_696, %dma_start3A_700] : memref<512x26xi32, #tpu.memory_space<vmem>> -> memref<1x26xi32, #tpu.memory_space<vmem>>
      %dma_start3A_702 = tpu.memref_squeeze %dma_start3A_701 : memref<1x26xi32, #tpu.memory_space<vmem>> -> memref<26xi32, #tpu.memory_space<vmem>>
      %dma_start3A_703 = arith.constant 0 : i32
      %dma_start3A_704 = arith.constant 0 : i32
      %dma_start3A_705 = tpu.memref_slice %arg3[%dma_start3A_703, %dma_start3A_704] : memref<1000000x128xf32, #tpu.memory_space<hbm>> -> memref<1000000x128xf32, #tpu.memory_space<hbm>>
      tpu.enqueue_indirect_dma source(%dma_start3A_705 : memref<1000000x128xf32, #tpu.memory_space<hbm>>) target(%dma_start3A_699 : memref<26x128xf32, #tpu.memory_space<vmem>>) offsets(%dma_start3A_702 : memref<26xi32, #tpu.memory_space<vmem>>) semaphore(%arg8 : memref<!tpu.dma_semaphore, #tpu.memory_space<semaphore_mem>>)
      %mul3A_706 = arith.constant 8 : i32
      %mul3A_707 = arith.muli %add3A_653, %mul3A_706 : i32
      %add3A_708 = arith.constant 4 : i32
      %add3A_709 = arith.addi %mul3A_707, %add3A_708 : i32
      %dma_start3A_710 = arith.constant 128 : i32
      %dma_start3A_711 = arith.constant 0 : i32
      %dma_start3A_712 = tpu.memref_slice %arg7[%dma_start3A_710, %dma_start3A_711] : memref<256x128xf32, #tpu.memory_space<vmem>> -> memref<26x128xf32, #tpu.memory_space<vmem>>
      %dma_start3A_713 = arith.constant 0 : i32
      %dma_start3A_714 = tpu.memref_slice %arg5[%add3A_709, %dma_start3A_713] : memref<512x26xi32, #tpu.memory_space<vmem>> -> memref<1x26xi32, #tpu.memory_space<vmem>>
      %dma_start3A_715 = tpu.memref_squeeze %dma_start3A_714 : memref<1x26xi32, #tpu.memory_space<vmem>> -> memref<26xi32, #tpu.memory_space<vmem>>
      %dma_start3A_716 = arith.constant 0 : i32
      %dma_start3A_717 = arith.constant 0 : i32
      %dma_start3A_718 = tpu.memref_slice %arg3[%dma_start3A_716, %dma_start3A_717] : memref<1000000x128xf32, #tpu.memory_space<hbm>> -> memref<1000000x128xf32, #tpu.memory_space<hbm>>
      tpu.enqueue_indirect_dma source(%dma_start3A_718 : memref<1000000x128xf32, #tpu.memory_space<hbm>>) target(%dma_start3A_712 : memref<26x128xf32, #tpu.memory_space<vmem>>) offsets(%dma_start3A_715 : memref<26xi32, #tpu.memory_space<vmem>>) semaphore(%arg8 : memref<!tpu.dma_semaphore, #tpu.memory_space<semaphore_mem>>)
      %mul3A_719 = arith.constant 8 : i32
      %mul3A_720 = arith.muli %add3A_653, %mul3A_719 : i32
      %add3A_721 = arith.constant 5 : i32
      %add3A_722 = arith.addi %mul3A_720, %add3A_721 : i32
      %dma_start3A_723 = arith.constant 160 : i32
      %dma_start3A_724 = arith.constant 0 : i32
      %dma_start3A_725 = tpu.memref_slice %arg7[%dma_start3A_723, %dma_start3A_724] : memref<256x128xf32, #tpu.memory_space<vmem>> -> memref<26x128xf32, #tpu.memory_space<vmem>>
      %dma_start3A_726 = arith.constant 0 : i32
      %dma_start3A_727 = tpu.memref_slice %arg5[%add3A_722, %dma_start3A_726] : memref<512x26xi32, #tpu.memory_space<vmem>> -> memref<1x26xi32, #tpu.memory_space<vmem>>
      %dma_start3A_728 = tpu.memref_squeeze %dma_start3A_727 : memref<1x26xi32, #tpu.memory_space<vmem>> -> memref<26xi32, #tpu.memory_space<vmem>>
      %dma_start3A_729 = arith.constant 0 : i32
      %dma_start3A_730 = arith.constant 0 : i32
      %dma_start3A_731 = tpu.memref_slice %arg3[%dma_start3A_729, %dma_start3A_730] : memref<1000000x128xf32, #tpu.memory_space<hbm>> -> memref<1000000x128xf32, #tpu.memory_space<hbm>>
      tpu.enqueue_indirect_dma source(%dma_start3A_731 : memref<1000000x128xf32, #tpu.memory_space<hbm>>) target(%dma_start3A_725 : memref<26x128xf32, #tpu.memory_space<vmem>>) offsets(%dma_start3A_728 : memref<26xi32, #tpu.memory_space<vmem>>) semaphore(%arg8 : memref<!tpu.dma_semaphore, #tpu.memory_space<semaphore_mem>>)
      %mul3A_732 = arith.constant 8 : i32
      %mul3A_733 = arith.muli %add3A_653, %mul3A_732 : i32
      %add3A_734 = arith.constant 6 : i32
      %add3A_735 = arith.addi %mul3A_733, %add3A_734 : i32
      %dma_start3A_736 = arith.constant 192 : i32
      %dma_start3A_737 = arith.constant 0 : i32
      %dma_start3A_738 = tpu.memref_slice %arg7[%dma_start3A_736, %dma_start3A_737] : memref<256x128xf32, #tpu.memory_space<vmem>> -> memref<26x128xf32, #tpu.memory_space<vmem>>
      %dma_start3A_739 = arith.constant 0 : i32
      %dma_start3A_740 = tpu.memref_slice %arg5[%add3A_735, %dma_start3A_739] : memref<512x26xi32, #tpu.memory_space<vmem>> -> memref<1x26xi32, #tpu.memory_space<vmem>>
      %dma_start3A_741 = tpu.memref_squeeze %dma_start3A_740 : memref<1x26xi32, #tpu.memory_space<vmem>> -> memref<26xi32, #tpu.memory_space<vmem>>
      %dma_start3A_742 = arith.constant 0 : i32
      %dma_start3A_743 = arith.constant 0 : i32
      %dma_start3A_744 = tpu.memref_slice %arg3[%dma_start3A_742, %dma_start3A_743] : memref<1000000x128xf32, #tpu.memory_space<hbm>> -> memref<1000000x128xf32, #tpu.memory_space<hbm>>
      tpu.enqueue_indirect_dma source(%dma_start3A_744 : memref<1000000x128xf32, #tpu.memory_space<hbm>>) target(%dma_start3A_738 : memref<26x128xf32, #tpu.memory_space<vmem>>) offsets(%dma_start3A_741 : memref<26xi32, #tpu.memory_space<vmem>>) semaphore(%arg8 : memref<!tpu.dma_semaphore, #tpu.memory_space<semaphore_mem>>)
      %mul3A_745 = arith.constant 8 : i32
      %mul3A_746 = arith.muli %add3A_653, %mul3A_745 : i32
      %add3A_747 = arith.constant 7 : i32
      %add3A_748 = arith.addi %mul3A_746, %add3A_747 : i32
      %dma_start3A_749 = arith.constant 224 : i32
      %dma_start3A_750 = arith.constant 0 : i32
      %dma_start3A_751 = tpu.memref_slice %arg7[%dma_start3A_749, %dma_start3A_750] : memref<256x128xf32, #tpu.memory_space<vmem>> -> memref<26x128xf32, #tpu.memory_space<vmem>>
      %dma_start3A_752 = arith.constant 0 : i32
      %dma_start3A_753 = tpu.memref_slice %arg5[%add3A_748, %dma_start3A_752] : memref<512x26xi32, #tpu.memory_space<vmem>> -> memref<1x26xi32, #tpu.memory_space<vmem>>
      %dma_start3A_754 = tpu.memref_squeeze %dma_start3A_753 : memref<1x26xi32, #tpu.memory_space<vmem>> -> memref<26xi32, #tpu.memory_space<vmem>>
      %dma_start3A_755 = arith.constant 0 : i32
      %dma_start3A_756 = arith.constant 0 : i32
      %dma_start3A_757 = tpu.memref_slice %arg3[%dma_start3A_755, %dma_start3A_756] : memref<1000000x128xf32, #tpu.memory_space<hbm>> -> memref<1000000x128xf32, #tpu.memory_space<hbm>>
      tpu.enqueue_indirect_dma source(%dma_start3A_757 : memref<1000000x128xf32, #tpu.memory_space<hbm>>) target(%dma_start3A_751 : memref<26x128xf32, #tpu.memory_space<vmem>>) offsets(%dma_start3A_754 : memref<26xi32, #tpu.memory_space<vmem>>) semaphore(%arg8 : memref<!tpu.dma_semaphore, #tpu.memory_space<semaphore_mem>>)
      %mul3A_758 = arith.constant 8 : i32
      %mul3A_759 = arith.muli %add3A_565, %mul3A_758 : i32
      %add3A_760 = arith.addi %mul3A_2, %mul3A_759 : i32
      %mul3A_761 = arith.constant 32 : i32
      %mul3A_762 = arith.muli %add3A_760, %mul3A_761 : i32
      %dma_start3A_763 = arith.constant 0 : i32
      %dma_start3A_764 = tpu.memref_slice %arg4[%mul3A_762, %dma_start3A_763] : memref<524288x128xf32, #tpu.memory_space<hbm>> -> memref<256x128xf32, #tpu.memory_space<hbm>>
      %dma_start3A_765 = arith.constant 0 : i32
      %dma_start3A_766 = tpu.memref_slice %arg4[%mul3A_762, %dma_start3A_765] : memref<524288x128xf32, #tpu.memory_space<hbm>> -> memref<256x128xf32, #tpu.memory_space<hbm>>
      tpu.enqueue_dma source(%arg6 : memref<256x128xf32, #tpu.memory_space<vmem>>) target(%dma_start3A_766 : memref<256x128xf32, #tpu.memory_space<hbm>>) target_semaphore(%arg9 : memref<!tpu.dma_semaphore, #tpu.memory_space<semaphore_mem>>)
      %scan3A_767 = arith.constant 0 : i32
      scf.yield %scan3A_767 : i32
    }
    %scan3A_254 = arith.constant 31 : i32
    %dma_wait3A_255 = arith.constant 0 : i32
    %dma_wait3A_256 = arith.constant 0 : i32
    %dma_wait3A_257 = arith.constant 0 : i32
    %dma_wait3A_258 = tpu.memref_slice %arg7[%dma_wait3A_256, %dma_wait3A_257] : memref<256x128xf32, #tpu.memory_space<vmem>> -> memref<26x128xf32, #tpu.memory_space<vmem>>
    %dma_wait3A_259 = arith.constant 0 : i32
    %dma_wait3A_260 = tpu.memref_slice %arg5[%dma_wait3A_255, %dma_wait3A_259] : memref<512x26xi32, #tpu.memory_space<vmem>> -> memref<1x26xi32, #tpu.memory_space<vmem>>
    %dma_wait3A_261 = tpu.memref_squeeze %dma_wait3A_260 : memref<1x26xi32, #tpu.memory_space<vmem>> -> memref<26xi32, #tpu.memory_space<vmem>>
    %dma_wait3A_262 = arith.constant 0 : i32
    %dma_wait3A_263 = arith.constant 0 : i32
    %dma_wait3A_264 = tpu.memref_slice %arg3[%dma_wait3A_262, %dma_wait3A_263] : memref<1000000x128xf32, #tpu.memory_space<hbm>> -> memref<1000000x128xf32, #tpu.memory_space<hbm>>
    tpu.wait_indirect_dma semaphore(%arg8 : memref<!tpu.dma_semaphore, #tpu.memory_space<semaphore_mem>>) src(%dma_wait3A_264 : memref<1000000x128xf32, #tpu.memory_space<hbm>>) dst(%dma_wait3A_258 : memref<26x128xf32, #tpu.memory_space<vmem>>)
    %dma_wait3A_265 = arith.constant 1 : i32
    %dma_wait3A_266 = arith.constant 32 : i32
    %dma_wait3A_267 = arith.constant 0 : i32
    %dma_wait3A_268 = tpu.memref_slice %arg7[%dma_wait3A_266, %dma_wait3A_267] : memref<256x128xf32, #tpu.memory_space<vmem>> -> memref<26x128xf32, #tpu.memory_space<vmem>>
    %dma_wait3A_269 = arith.constant 0 : i32
    %dma_wait3A_270 = tpu.memref_slice %arg5[%dma_wait3A_265, %dma_wait3A_269] : memref<512x26xi32, #tpu.memory_space<vmem>> -> memref<1x26xi32, #tpu.memory_space<vmem>>
    %dma_wait3A_271 = tpu.memref_squeeze %dma_wait3A_270 : memref<1x26xi32, #tpu.memory_space<vmem>> -> memref<26xi32, #tpu.memory_space<vmem>>
    %dma_wait3A_272 = arith.constant 0 : i32
    %dma_wait3A_273 = arith.constant 0 : i32
    %dma_wait3A_274 = tpu.memref_slice %arg3[%dma_wait3A_272, %dma_wait3A_273] : memref<1000000x128xf32, #tpu.memory_space<hbm>> -> memref<1000000x128xf32, #tpu.memory_space<hbm>>
    tpu.wait_indirect_dma semaphore(%arg8 : memref<!tpu.dma_semaphore, #tpu.memory_space<semaphore_mem>>) src(%dma_wait3A_274 : memref<1000000x128xf32, #tpu.memory_space<hbm>>) dst(%dma_wait3A_268 : memref<26x128xf32, #tpu.memory_space<vmem>>)
    %dma_wait3A_275 = arith.constant 2 : i32
    %dma_wait3A_276 = arith.constant 64 : i32
    %dma_wait3A_277 = arith.constant 0 : i32
    %dma_wait3A_278 = tpu.memref_slice %arg7[%dma_wait3A_276, %dma_wait3A_277] : memref<256x128xf32, #tpu.memory_space<vmem>> -> memref<26x128xf32, #tpu.memory_space<vmem>>
    %dma_wait3A_279 = arith.constant 0 : i32
    %dma_wait3A_280 = tpu.memref_slice %arg5[%dma_wait3A_275, %dma_wait3A_279] : memref<512x26xi32, #tpu.memory_space<vmem>> -> memref<1x26xi32, #tpu.memory_space<vmem>>
    %dma_wait3A_281 = tpu.memref_squeeze %dma_wait3A_280 : memref<1x26xi32, #tpu.memory_space<vmem>> -> memref<26xi32, #tpu.memory_space<vmem>>
    %dma_wait3A_282 = arith.constant 0 : i32
    %dma_wait3A_283 = arith.constant 0 : i32
    %dma_wait3A_284 = tpu.memref_slice %arg3[%dma_wait3A_282, %dma_wait3A_283] : memref<1000000x128xf32, #tpu.memory_space<hbm>> -> memref<1000000x128xf32, #tpu.memory_space<hbm>>
    tpu.wait_indirect_dma semaphore(%arg8 : memref<!tpu.dma_semaphore, #tpu.memory_space<semaphore_mem>>) src(%dma_wait3A_284 : memref<1000000x128xf32, #tpu.memory_space<hbm>>) dst(%dma_wait3A_278 : memref<26x128xf32, #tpu.memory_space<vmem>>)
    %dma_wait3A_285 = arith.constant 3 : i32
    %dma_wait3A_286 = arith.constant 96 : i32
    %dma_wait3A_287 = arith.constant 0 : i32
    %dma_wait3A_288 = tpu.memref_slice %arg7[%dma_wait3A_286, %dma_wait3A_287] : memref<256x128xf32, #tpu.memory_space<vmem>> -> memref<26x128xf32, #tpu.memory_space<vmem>>
    %dma_wait3A_289 = arith.constant 0 : i32
    %dma_wait3A_290 = tpu.memref_slice %arg5[%dma_wait3A_285, %dma_wait3A_289] : memref<512x26xi32, #tpu.memory_space<vmem>> -> memref<1x26xi32, #tpu.memory_space<vmem>>
    %dma_wait3A_291 = tpu.memref_squeeze %dma_wait3A_290 : memref<1x26xi32, #tpu.memory_space<vmem>> -> memref<26xi32, #tpu.memory_space<vmem>>
    %dma_wait3A_292 = arith.constant 0 : i32
    %dma_wait3A_293 = arith.constant 0 : i32
    %dma_wait3A_294 = tpu.memref_slice %arg3[%dma_wait3A_292, %dma_wait3A_293] : memref<1000000x128xf32, #tpu.memory_space<hbm>> -> memref<1000000x128xf32, #tpu.memory_space<hbm>>
    tpu.wait_indirect_dma semaphore(%arg8 : memref<!tpu.dma_semaphore, #tpu.memory_space<semaphore_mem>>) src(%dma_wait3A_294 : memref<1000000x128xf32, #tpu.memory_space<hbm>>) dst(%dma_wait3A_288 : memref<26x128xf32, #tpu.memory_space<vmem>>)
    %dma_wait3A_295 = arith.constant 4 : i32
    %dma_wait3A_296 = arith.constant 128 : i32
    %dma_wait3A_297 = arith.constant 0 : i32
    %dma_wait3A_298 = tpu.memref_slice %arg7[%dma_wait3A_296, %dma_wait3A_297] : memref<256x128xf32, #tpu.memory_space<vmem>> -> memref<26x128xf32, #tpu.memory_space<vmem>>
    %dma_wait3A_299 = arith.constant 0 : i32
    %dma_wait3A_300 = tpu.memref_slice %arg5[%dma_wait3A_295, %dma_wait3A_299] : memref<512x26xi32, #tpu.memory_space<vmem>> -> memref<1x26xi32, #tpu.memory_space<vmem>>
    %dma_wait3A_301 = tpu.memref_squeeze %dma_wait3A_300 : memref<1x26xi32, #tpu.memory_space<vmem>> -> memref<26xi32, #tpu.memory_space<vmem>>
    %dma_wait3A_302 = arith.constant 0 : i32
    %dma_wait3A_303 = arith.constant 0 : i32
    %dma_wait3A_304 = tpu.memref_slice %arg3[%dma_wait3A_302, %dma_wait3A_303] : memref<1000000x128xf32, #tpu.memory_space<hbm>> -> memref<1000000x128xf32, #tpu.memory_space<hbm>>
    tpu.wait_indirect_dma semaphore(%arg8 : memref<!tpu.dma_semaphore, #tpu.memory_space<semaphore_mem>>) src(%dma_wait3A_304 : memref<1000000x128xf32, #tpu.memory_space<hbm>>) dst(%dma_wait3A_298 : memref<26x128xf32, #tpu.memory_space<vmem>>)
    %dma_wait3A_305 = arith.constant 5 : i32
    %dma_wait3A_306 = arith.constant 160 : i32
    %dma_wait3A_307 = arith.constant 0 : i32
    %dma_wait3A_308 = tpu.memref_slice %arg7[%dma_wait3A_306, %dma_wait3A_307] : memref<256x128xf32, #tpu.memory_space<vmem>> -> memref<26x128xf32, #tpu.memory_space<vmem>>
    %dma_wait3A_309 = arith.constant 0 : i32
    %dma_wait3A_310 = tpu.memref_slice %arg5[%dma_wait3A_305, %dma_wait3A_309] : memref<512x26xi32, #tpu.memory_space<vmem>> -> memref<1x26xi32, #tpu.memory_space<vmem>>
    %dma_wait3A_311 = tpu.memref_squeeze %dma_wait3A_310 : memref<1x26xi32, #tpu.memory_space<vmem>> -> memref<26xi32, #tpu.memory_space<vmem>>
    %dma_wait3A_312 = arith.constant 0 : i32
    %dma_wait3A_313 = arith.constant 0 : i32
    %dma_wait3A_314 = tpu.memref_slice %arg3[%dma_wait3A_312, %dma_wait3A_313] : memref<1000000x128xf32, #tpu.memory_space<hbm>> -> memref<1000000x128xf32, #tpu.memory_space<hbm>>
    tpu.wait_indirect_dma semaphore(%arg8 : memref<!tpu.dma_semaphore, #tpu.memory_space<semaphore_mem>>) src(%dma_wait3A_314 : memref<1000000x128xf32, #tpu.memory_space<hbm>>) dst(%dma_wait3A_308 : memref<26x128xf32, #tpu.memory_space<vmem>>)
    %dma_wait3A_315 = arith.constant 6 : i32
    %dma_wait3A_316 = arith.constant 192 : i32
    %dma_wait3A_317 = arith.constant 0 : i32
    %dma_wait3A_318 = tpu.memref_slice %arg7[%dma_wait3A_316, %dma_wait3A_317] : memref<256x128xf32, #tpu.memory_space<vmem>> -> memref<26x128xf32, #tpu.memory_space<vmem>>
    %dma_wait3A_319 = arith.constant 0 : i32
    %dma_wait3A_320 = tpu.memref_slice %arg5[%dma_wait3A_315, %dma_wait3A_319] : memref<512x26xi32, #tpu.memory_space<vmem>> -> memref<1x26xi32, #tpu.memory_space<vmem>>
    %dma_wait3A_321 = tpu.memref_squeeze %dma_wait3A_320 : memref<1x26xi32, #tpu.memory_space<vmem>> -> memref<26xi32, #tpu.memory_space<vmem>>
    %dma_wait3A_322 = arith.constant 0 : i32
    %dma_wait3A_323 = arith.constant 0 : i32
    %dma_wait3A_324 = tpu.memref_slice %arg3[%dma_wait3A_322, %dma_wait3A_323] : memref<1000000x128xf32, #tpu.memory_space<hbm>> -> memref<1000000x128xf32, #tpu.memory_space<hbm>>
    tpu.wait_indirect_dma semaphore(%arg8 : memref<!tpu.dma_semaphore, #tpu.memory_space<semaphore_mem>>) src(%dma_wait3A_324 : memref<1000000x128xf32, #tpu.memory_space<hbm>>) dst(%dma_wait3A_318 : memref<26x128xf32, #tpu.memory_space<vmem>>)
    %dma_wait3A_325 = arith.constant 7 : i32
    %dma_wait3A_326 = arith.constant 224 : i32
    %dma_wait3A_327 = arith.constant 0 : i32
    %dma_wait3A_328 = tpu.memref_slice %arg7[%dma_wait3A_326, %dma_wait3A_327] : memref<256x128xf32, #tpu.memory_space<vmem>> -> memref<26x128xf32, #tpu.memory_space<vmem>>
    %dma_wait3A_329 = arith.constant 0 : i32
    %dma_wait3A_330 = tpu.memref_slice %arg5[%dma_wait3A_325, %dma_wait3A_329] : memref<512x26xi32, #tpu.memory_space<vmem>> -> memref<1x26xi32, #tpu.memory_space<vmem>>
    %dma_wait3A_331 = tpu.memref_squeeze %dma_wait3A_330 : memref<1x26xi32, #tpu.memory_space<vmem>> -> memref<26xi32, #tpu.memory_space<vmem>>
    %dma_wait3A_332 = arith.constant 0 : i32
    %dma_wait3A_333 = arith.constant 0 : i32
    %dma_wait3A_334 = tpu.memref_slice %arg3[%dma_wait3A_332, %dma_wait3A_333] : memref<1000000x128xf32, #tpu.memory_space<hbm>> -> memref<1000000x128xf32, #tpu.memory_space<hbm>>
    tpu.wait_indirect_dma semaphore(%arg8 : memref<!tpu.dma_semaphore, #tpu.memory_space<semaphore_mem>>) src(%dma_wait3A_334 : memref<1000000x128xf32, #tpu.memory_space<hbm>>) dst(%dma_wait3A_328 : memref<26x128xf32, #tpu.memory_space<vmem>>)
    %dma_wait3A_335 = arith.constant 0 : i32
    %dma_wait3A_336 = arith.constant 0 : i32
    %dma_wait3A_337 = tpu.memref_slice %arg4[%dma_wait3A_335, %dma_wait3A_336] : memref<524288x128xf32, #tpu.memory_space<hbm>> -> memref<256x128xf32, #tpu.memory_space<hbm>>
    %dma_wait3A_338 = arith.constant 0 : i32
    %dma_wait3A_339 = arith.constant 0 : i32
    %dma_wait3A_340 = tpu.memref_slice %arg4[%dma_wait3A_338, %dma_wait3A_339] : memref<524288x128xf32, #tpu.memory_space<hbm>> -> memref<256x128xf32, #tpu.memory_space<hbm>>
    tpu.wait_dma2 semaphore(%arg9 : memref<!tpu.dma_semaphore, #tpu.memory_space<semaphore_mem>>) src(%arg6 : memref<256x128xf32, #tpu.memory_space<vmem>>) dst(%dma_wait3A_340 : memref<256x128xf32, #tpu.memory_space<hbm>>)
    %add3A_341 = arith.constant 504 : i32
    %add3A_342 = arith.addi %mul3A_2, %add3A_341 : i32
    %mul3A_343 = arith.constant 32 : i32
    %mul3A_344 = arith.muli %add3A_342, %mul3A_343 : i32
    %dma_start3A_345 = arith.constant 0 : i32
    %dma_start3A_346 = tpu.memref_slice %arg4[%mul3A_344, %dma_start3A_345] : memref<524288x128xf32, #tpu.memory_space<hbm>> -> memref<256x128xf32, #tpu.memory_space<hbm>>
    %dma_start3A_347 = arith.constant 0 : i32
    %dma_start3A_348 = tpu.memref_slice %arg4[%mul3A_344, %dma_start3A_347] : memref<524288x128xf32, #tpu.memory_space<hbm>> -> memref<256x128xf32, #tpu.memory_space<hbm>>
    tpu.enqueue_dma source(%arg7 : memref<256x128xf32, #tpu.memory_space<vmem>>) target(%dma_start3A_348 : memref<256x128xf32, #tpu.memory_space<hbm>>) target_semaphore(%arg10 : memref<!tpu.dma_semaphore, #tpu.memory_space<semaphore_mem>>)
    %dma_wait3A_349 = arith.constant 0 : i32
    %dma_wait3A_350 = arith.constant 0 : i32
    %dma_wait3A_351 = tpu.memref_slice %arg4[%dma_wait3A_349, %dma_wait3A_350] : memref<524288x128xf32, #tpu.memory_space<hbm>> -> memref<256x128xf32, #tpu.memory_space<hbm>>
    %dma_wait3A_352 = arith.constant 0 : i32
    %dma_wait3A_353 = arith.constant 0 : i32
    %dma_wait3A_354 = tpu.memref_slice %arg4[%dma_wait3A_352, %dma_wait3A_353] : memref<524288x128xf32, #tpu.memory_space<hbm>> -> memref<256x128xf32, #tpu.memory_space<hbm>>
    tpu.wait_dma2 semaphore(%arg10 : memref<!tpu.dma_semaphore, #tpu.memory_space<semaphore_mem>>) src(%arg7 : memref<256x128xf32, #tpu.memory_space<vmem>>) dst(%dma_wait3A_354 : memref<256x128xf32, #tpu.memory_space<hbm>>)
    return
  }
}

</mosaic_0001>

<sc_bundles>
// kernel: kernel.3.cloned.1.call-start
scs
__scs_entry_jumppad:
0x0: {  	(pc) =	sbr.rel $0x88, $3  }
0x1: {  	(tag) =	ssettag $0x0;
	lr =	simm.s32 $0x1  }
0x2: {  	[smem:$0x3F9F] =	sst lr;
	_ =	strace $0xD0000000  }
0x3: {  	_ = 	snop  }
0x4: {  	_ = 	snop  }
0x5: {  	_ = 	snop  }
0x6: {  	_ = 	snop  }
0x7: {  	_ = 	snop  }
__scs_overlays_trampoline_lowered:
0x8: {  	[smem:$0x3FAE] =	sst s0  }
0x9: {  	[smem:$0x3FAF] =	sst s1  }
0xa: {  	[smem:$0x3FB0] =	sst s2  }
0xb: {  	[smem:$0x3FB1] =	sst s3  }
0xc: {  	[smem:$0x3FB2] =	sst s4  }
0xd: {  	[smem:$0x3FB3] =	sst s5  }
0xe: {  	[smem:$0x3FB4] =	sst s6  }
0xf: {  	[smem:$0x3FB5] =	sst s7  }
0x10: {  	[smem:$0x3FB6] =	sst s8  }
0x11: {  	[smem:$0x3FB7] =	sst s9;
	s0 =	simm.s32 @!p0 $0x0  }
0x12: {  	s1 =	sld [smem:$0x3F9D];
	s0 =	simm.s32 @p0 $0x1  }
0x13: {  	[smem:$0x3FB8] =	sst s0;
	s0 =	simm.s32 @!p1 $0x0  }
0x14: {  	s2 =	sld [smem:$0x3F9C];
	s0 =	simm.s32 @p1 $0x1  }
0x15: {  	[smem:$0x3FB9] =	sst s0;
	s0 =	simm.s32 @!p2 $0x0  }
0x16: {  	s3 =	sld [smem:$0x3FDB];
	s0 =	simm.s32 @p2 $0x1  }
0x17: {  	s4 =	simm.s32 $0x1BF5;
	[smem:$0x3FBB] =	sst s0  }
0x18: {  	s0 =	sld [smem:$0x3F9E];
	_ =	swait.ge [sflag:s4], $0x0  }
0x19: {  	s7 =	sld [smem:$0x3F9F]  }
0x1a: {  	s8 =	sadd.s32 $0xFFFFE003, lr  }
0x1b: {  	s9 =	sadd.s32 $0xFFFFFEF7, lr;
	s5 =	simm.s32 $0xFFFFFFFF;
	p2 =	slt.u32 s8, $0xFFFFF086  }
0x1c: {  	p1 =	slt.u32 s9, $0xF7A;
	s5 =	simm.s32 @!p2 $0x0  }
0x1d: {  	s5 =	simm.s32 @p1 $0x1;
	p0 =	seq.s32 s7, s2  }
0x1e: {  	s7 =	smul.u32 @!p0 $0xF7A, s2;
	p2 =	seq.s32 @!p0 s5, $0x0  }
0x1f: {  	s9 =	smul.u32 $0xF7A, s1;
	s8 =	simm.s32 @!p0 $0x1BF5;
	p2 =	por !p2, p0  }
0x20: {  	[sflag:s8] =	ssyncset.s32 @!p0 $0xFFFFF086;
	s6 =	sadd.s32 @!p0 s3, s7;
	s7 =	simm.s32 @!p0 $0x108  }
0x21: {  	s3 =	sadd.s32 s3, s9;
	s6 =	sadd.s32 @!p0 $0x88, s6;
	s7 =	simm.s32 @p2 $0x1082  }
0x22: {  	[simem:s7], [sflag:s8] =	dma.local @!p0 [hbm:s6], $0xF7A  }
0x23: {  	s9 =	sor.u32 $0xD0000000, s2;
	s6 =	simm.s32 $0x108;
	_ =	swait.ge @!p0 [sflag:s8], $0x0  }
0x24: {  	s3 =	sadd.s32 $0x88, s3;
	s6 =	simm.s32 @!p1 $0x1082;
	[sflag:s4] =	ssyncset.s32 $0xFFFFF086  }
0x25: {  	[simem:s6], [sflag:s4] =	dma.local [hbm:s3], $0xF7A  }
0x26: {  	[smem:$0x3F9F] =	sst s1;
	(tag) =	ssettag s2;
	_ =	strace s9  }
0x27: {  	s1 =	sld [smem:$0x3FAF]  }
0x28: {  	s2 =	sld [smem:$0x3FB0]  }
0x29: {  	s4 =	sld [smem:$0x3FB2]  }
0x2a: {  	p0 =	seq.s32 s5, $0x0;
	s5 =	sld [smem:$0x3FB3]  }
0x2b: {  	s6 =	sld [smem:$0x3FB4]  }
0x2c: {  	s7 =	sld [smem:$0x3FB5]  }
0x2d: {  	s3 =	simm.s32 $0x108;
	s8 =	sld [smem:$0x3FB6]  }
0x2e: {  	s3 =	simm.s32 @!p0 $0x1082;
	s9 =	sld [smem:$0x3FB7]  }
0x2f: {  	lr =	sadd.s32 s0, s3;
	s0 =	sld [smem:$0x3FAE]  }
0x30: {  	s3 =	sld [smem:$0x3FB1]  }
0x31: {  	[smem:$0x3FBA] =	sst s10  }
0x32: {  	s10 =	sld [smem:$0x3FB8];
	_ =	sdelay $0x3  }
0x33: {  	p0 =	seq.s32 s10, $0x1;
	s10 =	sld [smem:$0x3FBA];
	_ =	sdelay $0x3  }
0x34: {  	[smem:$0x3FBA] =	sst s10  }
0x35: {  	s10 =	sld [smem:$0x3FB9];
	_ =	sdelay $0x3  }
0x36: {  	p1 =	seq.s32 s10, $0x1;
	s10 =	sld [smem:$0x3FBA];
	_ =	sdelay $0x3  }
0x37: {  	[smem:$0x3FBA] =	sst s10  }
0x38: {  	s10 =	sld [smem:$0x3FBB]  }
0x39: {  	_ = 	snop;
	(pc) =	sbr.ind lr, $3  }
0x3a: {  	_ = 	snop  }
0x3b: {  	_ = 	snop  }
0x3c: {  	p2 =	seq.s32 s10, $0x1;
	s10 =	sld [smem:$0x3FBA]  }
0x3d: {  	_ =	shalt  }
0x3e: {  	_ =	shalt  }
0x3f: {  	_ =	shalt  }
0x40: {  	_ =	shalt  }
0x41: {  	_ =	shalt  }
0x42: {  	_ =	shalt  }
0x43: {  	_ =	shalt  }
0x44: {  	_ =	shalt  }
0x45: {  	_ =	shalt  }
0x46: {  	_ =	shalt  }
0x47: {  	_ =	shalt  }
0x48: {  	_ =	shalt  }
0x49: {  	_ =	shalt  }
0x4a: {  	_ =	shalt  }
0x4b: {  	_ =	shalt  }
0x4c: {  	_ =	shalt  }
0x4d: {  	_ =	shalt  }
0x4e: {  	_ =	shalt  }
0x4f: {  	_ =	shalt  }
0x50: {  	_ =	shalt  }
0x51: {  	_ =	shalt  }
0x52: {  	_ =	shalt  }
0x53: {  	_ =	shalt  }
0x54: {  	_ =	shalt  }
0x55: {  	_ =	shalt  }
0x56: {  	_ =	shalt  }
0x57: {  	_ =	shalt  }
0x58: {  	_ =	shalt  }
0x59: {  	_ =	shalt  }
0x5a: {  	_ =	shalt  }
0x5b: {  	_ =	shalt  }
0x5c: {  	_ =	shalt  }
0x5d: {  	_ =	shalt  }
0x5e: {  	_ =	shalt  }
0x5f: {  	_ =	shalt  }
0x60: {  	_ =	shalt  }
0x61: {  	_ =	shalt  }
0x62: {  	_ =	shalt  }
0x63: {  	_ =	shalt  }
0x64: {  	_ =	shalt  }
0x65: {  	_ =	shalt  }
0x66: {  	_ =	shalt  }
0x67: {  	_ =	shalt  }
0x68: {  	_ =	shalt  }
0x69: {  	_ =	shalt  }
0x6a: {  	_ =	shalt  }
0x6b: {  	_ =	shalt  }
0x6c: {  	_ =	shalt  }
0x6d: {  	_ =	shalt  }
0x6e: {  	_ =	shalt  }
0x6f: {  	_ =	shalt  }
0x70: {  	_ =	shalt  }
0x71: {  	_ =	shalt  }
0x72: {  	_ =	shalt  }
0x73: {  	_ =	shalt  }
0x74: {  	_ =	shalt  }
0x75: {  	_ =	shalt  }
0x76: {  	_ =	shalt  }
0x77: {  	_ =	shalt  }
0x78: {  	_ =	shalt  }
0x79: {  	_ =	shalt  }
0x7a: {  	_ =	shalt  }
0x7b: {  	_ =	shalt  }
0x7c: {  	_ =	shalt  }
0x7d: {  	_ =	shalt  }
0x7e: {  	_ =	shalt  }
0x7f: {  	_ =	shalt  }
0x80: {  	_ =	shalt  }
0x81: {  	_ =	shalt  }
0x82: {  	_ =	shalt  }
0x83: {  	_ =	shalt  }
0x84: {  	_ =	shalt  }
0x85: {  	_ =	shalt  }
0x86: {  	_ =	shalt  }
0x87: {  	_ =	shalt  }
.Lfunc_end0:
.L_simem_size_0:
called_computation.1_lowered:
.L_overlay_start_0:
0x88: {  	s2 =	sld [smem:$0x3FD9]  }
0x89: {  	s3 =	sld [smem:$0x3FFE];
	_ =	sdelay $0x1  }
0x8a: {  	s1 =	srdreg.scid  }
0x8b: {  	s0 =	sand.u32 $0x1, s1  }
0x8c: {  	s17 =	sshll.u32 s0, $0xA;
	s2 =	sadd.s32 s3, s2  }
0x8d: {  	s2 =	sadd.s32 s2, s17  }
0x8e: {  	[smem:$0x3FC6] =	sst s2  }
0x8f: {  	_ = 	snop  }
0x90: {  	s2 =	sld [smem:$0x3FD0];
	(tm) =	ssettm $0x1  }
0x91: {  	s18 =	sld [smem:$0x3FFB];
	_ =	sdelay $0x3  }
0x92: {  	_ =	strace s18  }
0x93: {  	s3 =	sld [smem:$0x3FFC];
	_ =	sdelay $0x3  }
0x94: {  	_ =	strace s3  }
0x95: {  	s3 =	sld [smem:$0x3FFD];
	_ =	sdelay $0x3  }
0x96: {  	_ =	strace s3  }
0x97: {  	_ =	strace $0x8FFFFFFF  }
0x98: {  	s19 =	sld [smem:$0x3FDB];
	_ =	sdelay $0x1  }
0x99: {  	s4 =	simm.s32 $_scs_section_size  }
0x9a: {  	s5 =	simm.s32 $_size__tile_overlayer_lowered;
	s6 =	simm.s32 $_tile_overlayer_lowered  }
0x9b: {  	s22 =	simm.s32 $0x1BFF;
	s21 =	sshll.u32 s6, $0x1;
	s3 =	sadd.s32 s4, s19  }
0x9c: {  	s7 =	simm.s32 $0x0;
	s20 =	sshll.u32 s5, $0x1;
	s5 =	sadd.s32 s21, s3  }
0x9d: {  	[timem:s7], [sflag:s22] =	dma.local [hbm:s5], s20  }
0x9e: {  	_ =	swait.ge [sflag:s22], s20  }
0x9f: {  	s4 =	ssub.s32 $0x0, s20;
	[sflag:s22] =	ssyncset.done $0x0  }
0xa0: {  	[sflag:s22] =	ssyncadd.s32 s4;
	_ =	sdelay $0x1  }
0xa1: {  	s23 =	simm.s32 $0x1B8B  }
0xa2: {  	_ =	swait.ge [sflag:s23], $0x1  }
0xa3: {  	[sflag:s23] =	ssyncset.done $0x0  }
0xa4: {  	s25 =	simm.s32 $0x1B8E;
	s24 =	sld [smem:$0x3FFE];
	[sflag:s23] =	ssyncadd.s32 $0xFFFFFFFF  }
0xa5: {  	s26 =	simm.s32 $execute0_lowered;
	[smem:$0x3FD2] =	sst s25  }
0xa6: {  	s5 =	sshll.u32 s26, $0x1;
	_ =	strace $0x80000046;
	[dreg:$0x1] =	wrdreg $0xFFFFFFFF  }
0xa7: {  	s28 =	simm.s32 $_size_execute0_lowered;
	s3 =	sadd.s32 s3, s5;
	[dreg:$0x0] =	wrdreg $0x0  }
0xa8: {  	s5 =	sshll.u32 s28, $0x1;
	[dreg:$0x2] =	wrdreg s3  }
0xa9: {  	[dreg:$0x3] =	wrdreg s5  }
0xaa: {  	[dreg:$0x4] =	wrdreg $0xC0  }
0xab: {  	_ =	task [dreg:s7], $0x5FFFF  }
0xac: {  	[dreg:$0x1] =	wrdreg $0xFFFFFFFF  }
0xad: {  	[dreg:$0x0] =	wrdreg $0x60  }
0xae: {  	[dreg:$0x2] =	wrdreg s2  }
0xaf: {  	[dreg:$0x3] =	wrdreg s24  }
0xb0: {  	[dreg:$0x4] =	wrdreg $0x9  }
0xb1: {  	_ =	task.clear_ibuf [dreg:s7], $0x5FFFF;
	_ =	strace $0x90000046  }
0xb2: {  	s29 =	simm.s32 $0x9;
	_ =	strace $0x80000048  }
0xb3: {  	_ =	swait.ge [sflag:s29], $0x1  }
0xb4: {  	[sflag:s29] =	ssyncadd.s32 $0xFFFFFFFF  }
0xb5: {  	_ =	strace $0x90000048  }
0xb6: {  	_ =	sfence  }
0xb7: {  	s30 =	sld [smem:$0x0];
	_ =	sdelay $0x2  }
0xb8: {  	s31 =	sshll.u32 s1, $0xD;
	s1 =	sshrl.u32 s1, $0x2  }
0xb9: {  	s3 =	sand.u32 $0x4000, s31;
	s1 =	sadd.s32 s1, s30  }
0xba: {  	s0 =	sor.u32 s3, s0;
	s1 =	sshll.u32 s1, $0x11  }
0xbb: {  	s0 =	sor.u32 s1, s0  }
0xbc: {  	s0 =	sadd.s32 $0x8F2B, s0  }
0xbd: {  	[sflag:s0] =	ssyncadd.remote.s32 $0x1  }
0xbe: {  	_ =	sfence.sel $0xFFFF  }
0xbf: {  	[dreg:$0x0] =	wrdreg $0xFFFFFFFF;
	(pc) =	sbr.abs _section_cstart, $3  }
0xc0: {  	[dreg:$0x1] =	wrdreg $0xFFFFFFFF  }
0xc1: {  	_ =	task.clear_ibuf [dreg:s7], $0x2FFFF;
	_ =	strace $0x9FFFFFFF  }
0xc2: {  	(tm) =	ssettm $0x7FFFFFFF  }
0xc3: {  	_ =	shalt  }
tec
execute0_lowered:
.L_overlay_start_1:
0x0: {  	(tag) =	ssettag $0x1  }
0x1: {  	s0 =	rddreg [dreg:$0x0]  }
0x2: {  	s2 =	rddreg [dreg:$0x1]  }
0x3: {  	s1 =	simm.s32 $0x0;
	s3 =	srdreg.scid;
	s8 =	stileid.u32  }
0x4: {  	s12 =	simm.s32 $0x11000;
	s14 =	simm.s32 $0x12000;
	s16 =	simm.s32 $0x13000  }
0x5: {  	s18 =	simm.s32 $0x14000;
	s20 =	simm.s32 $0x15000;
	s22 =	simm.s32 $0x16000  }
0x6: {  	s28 =	simm.s32 $0x18000;
	s30 =	simm.s32 $0x19000;
	s11 =	simm.s32 $0x1B000  }
0x7: {  	s15 =	simm.s32 $0x1C000;
	s19 =	simm.s32 $0x1D000;
	s29 =	simm.s32 $0x1F000  }
0x8: {  	s31 =	simm.s32 $0x2;
	s13 =	simm.s32 $0x0;
	[smem:$0x7FF] =	sst s1  }
0x9: {  	s4 =	sand.u32 $0x1, s3;
	s3 =	sadd.s32 $0xF42E00, s2;
	s2 =	sadd.s32 $0xA00, s2  }
0xa: {  	s7 =	sshll.u32 s8, $0x1;
	s8 =	sshll.u32 s8, $0x13;
	_ =	strace $0x80000047  }
0xb: {  	s5 =	ssub.s32 $0x2, s4;
	s9 =	sshll.u32 s4, $0x12;
	s4 =	sor.u32 s4, s7  }
0xc: {  	s6 =	sshrl.u32 s5, $0x1;
	s23 =	sor.u32 s9, s8;
	s24 =	sshll.u32 s4, $0xD  }
0xd: {  	s7 =	sshll.u32 s4, $0x12;
	s9 =	simm.s32 $0x1A;
	s10 =	ssub.s32 s5, s6  }
0xe: {  	s8 =	sadd.s32 s23, s2;
	s0 =	sadd.s32 s0, s24;
	s5 =	sadd.s32 s2, s7  }
0xf: {  	s24 =	simm.s32 $0x17000;
	s23 =	simm.s32 $0x1E000;
	[dreg:$0x5] =	wrdreg s0  }
0x10: {  	s25 =	sadd.s32 $0x1000, s8;
	s2 =	sadd.s32 $0x3F000, s5;
	s26 =	sadd.s32 $0x2000, s8  }
0x11: {  	s7 =	smax.u32 s10, $0x1;
	s8 =	simm.s32 $0x4;
	[dreg:$0x6] =	wrdreg s2  }
0x12: {  	s10 =	simm.s32 $0x10000;
	s0 =	simm.s32 $0x1A000;
	[dreg:$0x3] =	wrdreg s25  }
0x13: {  	[dreg:$0x4] =	wrdreg s26;
	s25 =	simm.s32 $0x1;
	s2 =	simm.s32 $0x3  }
.LBB2_1:
0x14: {  	s4 =	rddreg [dreg:$0x5]  }
0x15: {  	[tilespmem:s1], [sflag:$0x4] =	stream.linear.gather [hbm4b:s4+s1], $0x10000, $0x38;
	v63 =	vld [tilespmem:$0x0]  }
0x16: {  	_ =	swait.ge [sflag:s8], $0x10000  }
0x17: {  	[sflag:s8] =	ssyncset.done $0x0  }
0x18: {  	[sflag:s8] =	ssyncadd.s32 $0xFFFF0000  }
0x19: {  	[tilespmem:s10], [sflag:$0x1] =	stream.indirect.gather [hbm4b:s3+s9], $0x80, s1, s9, $0xb8;
	v63 =	vld [tilespmem:$0x0]  }
0x1a: {  	s26 =	simm.s32 $0x80  }
0x1b: {  	[tilespmem:s12], [sflag:$0x1] =	stream.indirect.gather [hbm4b:s3+s9], $0x80, s26, s9, $0xb8;
	v63 =	vld [tilespmem:$0x0]  }
0x1c: {  	s6 =	simm.s32 $0x100  }
0x1d: {  	[tilespmem:s14], [sflag:$0x1] =	stream.indirect.gather [hbm4b:s3+s9], $0x80, s6, s9, $0xb8;
	v63 =	vld [tilespmem:$0x0]  }
0x1e: {  	s17 =	simm.s32 $0x180  }
0x1f: {  	[tilespmem:s16], [sflag:$0x1] =	stream.indirect.gather [hbm4b:s3+s9], $0x80, s17, s9, $0xb8;
	v63 =	vld [tilespmem:$0x0]  }
0x20: {  	s21 =	simm.s32 $0x200  }
0x21: {  	[tilespmem:s18], [sflag:$0x1] =	stream.indirect.gather [hbm4b:s3+s9], $0x80, s21, s9, $0xb8;
	v63 =	vld [tilespmem:$0x0]  }
0x22: {  	s26 =	simm.s32 $0x280  }
0x23: {  	[tilespmem:s20], [sflag:$0x1] =	stream.indirect.gather [hbm4b:s3+s9], $0x80, s26, s9, $0xb8;
	v63 =	vld [tilespmem:$0x0]  }
0x24: {  	s6 =	simm.s32 $0x300  }
0x25: {  	[tilespmem:s22], [sflag:$0x1] =	stream.indirect.gather [hbm4b:s3+s9], $0x80, s6, s9, $0xb8;
	v63 =	vld [tilespmem:$0x0]  }
0x26: {  	s17 =	simm.s32 $0x380  }
0x27: {  	[tilespmem:s24], [sflag:$0x1] =	stream.indirect.gather [hbm4b:s3+s9], $0x80, s17, s9, $0xb8;
	v63 =	vld [tilespmem:$0x0]  }
0x28: {  	_ =	swait.ge [sflag:s25], $0xD00  }
0x29: {  	[sflag:s25] =	ssyncset.done $0x0  }
0x2a: {  	[sflag:s25] =	ssyncadd.s32 $0xFFFFF300  }
0x2b: {  	_ =	swait.ge [sflag:s25], $0xD00  }
0x2c: {  	[sflag:s25] =	ssyncset.done $0x0  }
0x2d: {  	[sflag:s25] =	ssyncadd.s32 $0xFFFFF300  }
0x2e: {  	_ =	swait.ge [sflag:s25], $0xD00  }
0x2f: {  	[sflag:s25] =	ssyncset.done $0x0  }
0x30: {  	[sflag:s25] =	ssyncadd.s32 $0xFFFFF300  }
0x31: {  	_ =	swait.ge [sflag:s25], $0xD00  }
0x32: {  	[sflag:s25] =	ssyncset.done $0x0  }
0x33: {  	[sflag:s25] =	ssyncadd.s32 $0xFFFFF300  }
0x34: {  	_ =	swait.ge [sflag:s25], $0xD00  }
0x35: {  	[sflag:s25] =	ssyncset.done $0x0  }
0x36: {  	[sflag:s25] =	ssyncadd.s32 $0xFFFFF300  }
0x37: {  	_ =	swait.ge [sflag:s25], $0xD00  }
0x38: {  	[sflag:s25] =	ssyncset.done $0x0  }
0x39: {  	[sflag:s25] =	ssyncadd.s32 $0xFFFFF300  }
0x3a: {  	_ =	swait.ge [sflag:s25], $0xD00  }
0x3b: {  	[sflag:s25] =	ssyncset.done $0x0  }
0x3c: {  	[sflag:s25] =	ssyncadd.s32 $0xFFFFF300  }
0x3d: {  	_ =	swait.ge [sflag:s25], $0xD00  }
0x3e: {  	[sflag:s25] =	ssyncset.done $0x0  }
0x3f: {  	s21 =	simm.s32 $0x400;
	[sflag:s25] =	ssyncadd.s32 $0xFFFFF300  }
0x40: {  	[tilespmem:s28], [sflag:$0x1] =	stream.indirect.gather [hbm4b:s3+s9], $0x80, s21, s9, $0xb8;
	v63 =	vld [tilespmem:$0x0]  }
0x41: {  	s26 =	simm.s32 $0x480  }
0x42: {  	[tilespmem:s30], [sflag:$0x1] =	stream.indirect.gather [hbm4b:s3+s9], $0x80, s26, s9, $0xb8;
	v63 =	vld [tilespmem:$0x0]  }
0x43: {  	s6 =	simm.s32 $0x500  }
0x44: {  	[tilespmem:s0], [sflag:$0x1] =	stream.indirect.gather [hbm4b:s3+s9], $0x80, s6, s9, $0xb8;
	v63 =	vld [tilespmem:$0x0]  }
0x45: {  	s17 =	simm.s32 $0x580  }
0x46: {  	[tilespmem:s11], [sflag:$0x1] =	stream.indirect.gather [hbm4b:s3+s9], $0x80, s17, s9, $0xb8;
	v63 =	vld [tilespmem:$0x0]  }
0x47: {  	s21 =	simm.s32 $0x600  }
0x48: {  	[tilespmem:s15], [sflag:$0x1] =	stream.indirect.gather [hbm4b:s3+s9], $0x80, s21, s9, $0xb8;
	v63 =	vld [tilespmem:$0x0]  }
0x49: {  	s26 =	simm.s32 $0x680  }
0x4a: {  	[tilespmem:s19], [sflag:$0x1] =	stream.indirect.gather [hbm4b:s3+s9], $0x80, s26, s9, $0xb8;
	v63 =	vld [tilespmem:$0x0]  }
0x4b: {  	s6 =	simm.s32 $0x700  }
0x4c: {  	[tilespmem:s23], [sflag:$0x1] =	stream.indirect.gather [hbm4b:s3+s9], $0x80, s6, s9, $0xb8;
	v63 =	vld [tilespmem:$0x0]  }
0x4d: {  	s17 =	simm.s32 $0x780  }
0x4e: {  	[tilespmem:s29], [sflag:$0x1] =	stream.indirect.gather [hbm4b:s3+s9], $0x80, s17, s9, $0xb8;
	v63 =	vld [tilespmem:$0x0]  }
0x4f: {  	_ = 	snop  }
0x50: {  	[hbm4b:s5+s1] =	stream.linear.scatter [tilespmem:s10], [sflag:$0x2], $0x8000, $0x38;
	v63 =	vld [tilespmem:$0x0]  }
0x51: {  	_ =	swait.ge [sflag:s25], $0xD00  }
0x52: {  	[sflag:s25] =	ssyncset.done $0x0  }
0x53: {  	[sflag:s25] =	ssyncadd.s32 $0xFFFFF300  }
0x54: {  	_ =	swait.ge [sflag:s25], $0xD00  }
0x55: {  	[sflag:s25] =	ssyncset.done $0x0  }
0x56: {  	[sflag:s25] =	ssyncadd.s32 $0xFFFFF300  }
0x57: {  	_ =	swait.ge [sflag:s25], $0xD00  }
0x58: {  	[sflag:s25] =	ssyncset.done $0x0  }
0x59: {  	[sflag:s25] =	ssyncadd.s32 $0xFFFFF300  }
0x5a: {  	_ =	swait.ge [sflag:s25], $0xD00  }
0x5b: {  	[sflag:s25] =	ssyncset.done $0x0  }
0x5c: {  	[sflag:s25] =	ssyncadd.s32 $0xFFFFF300  }
0x5d: {  	_ =	swait.ge [sflag:s25], $0xD00  }
0x5e: {  	[sflag:s25] =	ssyncset.done $0x0  }
0x5f: {  	[sflag:s25] =	ssyncadd.s32 $0xFFFFF300  }
0x60: {  	_ =	swait.ge [sflag:s25], $0xD00  }
0x61: {  	[sflag:s25] =	ssyncset.done $0x0  }
0x62: {  	[sflag:s25] =	ssyncadd.s32 $0xFFFFF300  }
0x63: {  	_ =	swait.ge [sflag:s25], $0xD00  }
0x64: {  	[sflag:s25] =	ssyncset.done $0x0  }
0x65: {  	[sflag:s25] =	ssyncadd.s32 $0xFFFFF300  }
0x66: {  	_ =	swait.ge [sflag:s25], $0xD00  }
0x67: {  	[sflag:s25] =	ssyncset.done $0x0  }
0x68: {  	[sflag:s25] =	ssyncadd.s32 $0xFFFFF300  }
0x69: {  	_ =	swait.ge [sflag:s31], $0x8000  }
0x6a: {  	[sflag:s31] =	ssyncset.done $0x0  }
0x6b: {  	s17 =	simm.s32 $0x800;
	[sflag:s31] =	ssyncadd.s32 $0xFFFF8000  }
0x6c: {  	[tilespmem:s10], [sflag:$0x1] =	stream.indirect.gather [hbm4b:s3+s9], $0x80, s17, s9, $0xb8;
	v63 =	vld [tilespmem:$0x0]  }
0x6d: {  	s21 =	simm.s32 $0x880  }
0x6e: {  	[tilespmem:s12], [sflag:$0x1] =	stream.indirect.gather [hbm4b:s3+s9], $0x80, s21, s9, $0xb8;
	v63 =	vld [tilespmem:$0x0]  }
0x6f: {  	s26 =	simm.s32 $0x900  }
0x70: {  	[tilespmem:s14], [sflag:$0x1] =	stream.indirect.gather [hbm4b:s3+s9], $0x80, s26, s9, $0xb8;
	v63 =	vld [tilespmem:$0x0]  }
0x71: {  	s4 =	simm.s32 $0x980  }
0x72: {  	[tilespmem:s16], [sflag:$0x1] =	stream.indirect.gather [hbm4b:s3+s9], $0x80, s4, s9, $0xb8;
	v63 =	vld [tilespmem:$0x0]  }
0x73: {  	s6 =	simm.s32 $0xA00  }
0x74: {  	[tilespmem:s18], [sflag:$0x1] =	stream.indirect.gather [hbm4b:s3+s9], $0x80, s6, s9, $0xb8;
	v63 =	vld [tilespmem:$0x0]  }
0x75: {  	s21 =	simm.s32 $0xA80  }
0x76: {  	[tilespmem:s20], [sflag:$0x1] =	stream.indirect.gather [hbm4b:s3+s9], $0x80, s21, s9, $0xb8;
	v63 =	vld [tilespmem:$0x0]  }
0x77: {  	s26 =	simm.s32 $0xB00  }
0x78: {  	[tilespmem:s22], [sflag:$0x1] =	stream.indirect.gather [hbm4b:s3+s9], $0x80, s26, s9, $0xb8;
	v63 =	vld [tilespmem:$0x0]  }
0x79: {  	s4 =	simm.s32 $0xB80;
	s21 =	rddreg [dreg:$0x3]  }
0x7a: {  	[tilespmem:s24], [sflag:$0x1] =	stream.indirect.gather [hbm4b:s3+s9], $0x80, s4, s9, $0xb8;
	v63 =	vld [tilespmem:$0x0]  }
0x7b: {  	s6 =	sadd.s32 $0x0, s21  }
0x7c: {  	[hbm4b:s6+s1] =	stream.linear.scatter [tilespmem:s28], [sflag:$0x3], $0x8000, $0x38;
	v63 =	vld [tilespmem:$0x0]  }
0x7d: {  	_ =	swait.ge [sflag:s25], $0xD00  }
0x7e: {  	[sflag:s25] =	ssyncset.done $0x0  }
0x7f: {  	[sflag:s25] =	ssyncadd.s32 $0xFFFFF300  }
0x80: {  	_ =	swait.ge [sflag:s25], $0xD00  }
0x81: {  	[sflag:s25] =	ssyncset.done $0x0  }
0x82: {  	[sflag:s25] =	ssyncadd.s32 $0xFFFFF300  }
0x83: {  	_ =	swait.ge [sflag:s25], $0xD00  }
0x84: {  	[sflag:s25] =	ssyncset.done $0x0  }
0x85: {  	[sflag:s25] =	ssyncadd.s32 $0xFFFFF300  }
0x86: {  	_ =	swait.ge [sflag:s25], $0xD00  }
0x87: {  	[sflag:s25] =	ssyncset.done $0x0  }
0x88: {  	[sflag:s25] =	ssyncadd.s32 $0xFFFFF300  }
0x89: {  	_ =	swait.ge [sflag:s25], $0xD00  }
0x8a: {  	[sflag:s25] =	ssyncset.done $0x0  }
0x8b: {  	[sflag:s25] =	ssyncadd.s32 $0xFFFFF300  }
0x8c: {  	_ =	swait.ge [sflag:s25], $0xD00  }
0x8d: {  	[sflag:s25] =	ssyncset.done $0x0  }
0x8e: {  	[sflag:s25] =	ssyncadd.s32 $0xFFFFF300  }
0x8f: {  	_ =	swait.ge [sflag:s25], $0xD00  }
0x90: {  	[sflag:s25] =	ssyncset.done $0x0  }
0x91: {  	[sflag:s25] =	ssyncadd.s32 $0xFFFFF300  }
0x92: {  	_ =	swait.ge [sflag:s25], $0xD00  }
0x93: {  	[sflag:s25] =	ssyncset.done $0x0  }
0x94: {  	[sflag:s25] =	ssyncadd.s32 $0xFFFFF300  }
0x95: {  	_ =	swait.ge [sflag:s2], $0x8000  }
0x96: {  	[sflag:s2] =	ssyncset.done $0x0  }
0x97: {  	s21 =	simm.s32 $0xC00;
	[sflag:s2] =	ssyncadd.s32 $0xFFFF8000  }
0x98: {  	[tilespmem:s28], [sflag:$0x1] =	stream.indirect.gather [hbm4b:s3+s9], $0x80, s21, s9, $0xb8;
	v63 =	vld [tilespmem:$0x0]  }
0x99: {  	s26 =	simm.s32 $0xC80  }
0x9a: {  	[tilespmem:s30], [sflag:$0x1] =	stream.indirect.gather [hbm4b:s3+s9], $0x80, s26, s9, $0xb8;
	v63 =	vld [tilespmem:$0x0]  }
0x9b: {  	s4 =	simm.s32 $0xD00  }
0x9c: {  	[tilespmem:s0], [sflag:$0x1] =	stream.indirect.gather [hbm4b:s3+s9], $0x80, s4, s9, $0xb8;
	v63 =	vld [tilespmem:$0x0]  }
0x9d: {  	s6 =	simm.s32 $0xD80  }
0x9e: {  	[tilespmem:s11], [sflag:$0x1] =	stream.indirect.gather [hbm4b:s3+s9], $0x80, s6, s9, $0xb8;
	v63 =	vld [tilespmem:$0x0]  }
0x9f: {  	s21 =	simm.s32 $0xE00  }
0xa0: {  	[tilespmem:s15], [sflag:$0x1] =	stream.indirect.gather [hbm4b:s3+s9], $0x80, s21, s9, $0xb8;
	v63 =	vld [tilespmem:$0x0]  }
0xa1: {  	s26 =	simm.s32 $0xE80  }
0xa2: {  	[tilespmem:s19], [sflag:$0x1] =	stream.indirect.gather [hbm4b:s3+s9], $0x80, s26, s9, $0xb8;
	v63 =	vld [tilespmem:$0x0]  }
0xa3: {  	s4 =	simm.s32 $0xF00;
	s6 =	rddreg [dreg:$0x4]  }
0xa4: {  	[tilespmem:s23], [sflag:$0x1] =	stream.indirect.gather [hbm4b:s3+s9], $0x80, s4, s9, $0xb8;
	v63 =	vld [tilespmem:$0x0]  }
0xa5: {  	s17 =	simm.s32 $0x2000;
	s21 =	sadd.s32 $0x0, s6;
	s26 =	simm.s32 $0xF80  }
0xa6: {  	[tilespmem:s29], [sflag:$0x1] =	stream.indirect.gather [hbm4b:s3+s9], $0x80, s26, s9, $0xb8;
	v63 =	vld [tilespmem:$0x0]  }
.LBB2_2:
0xa7: {  	[hbm4b:s21+s1] =	stream.linear.scatter [tilespmem:s10], [sflag:$0x2], $0x8000, $0x38;
	v63 =	vld [tilespmem:$0x0]  }
0xa8: {  	_ =	swait.ge [sflag:s25], $0xD00  }
0xa9: {  	[sflag:s25] =	ssyncset.done $0x0  }
0xaa: {  	[sflag:s25] =	ssyncadd.s32 $0xFFFFF300  }
0xab: {  	_ =	swait.ge [sflag:s25], $0xD00  }
0xac: {  	[sflag:s25] =	ssyncset.done $0x0  }
0xad: {  	[sflag:s25] =	ssyncadd.s32 $0xFFFFF300  }
0xae: {  	_ =	swait.ge [sflag:s25], $0xD00  }
0xaf: {  	[sflag:s25] =	ssyncset.done $0x0  }
0xb0: {  	[sflag:s25] =	ssyncadd.s32 $0xFFFFF300  }
0xb1: {  	_ =	swait.ge [sflag:s25], $0xD00  }
0xb2: {  	[sflag:s25] =	ssyncset.done $0x0  }
0xb3: {  	[sflag:s25] =	ssyncadd.s32 $0xFFFFF300  }
0xb4: {  	_ =	swait.ge [sflag:s25], $0xD00  }
0xb5: {  	[sflag:s25] =	ssyncset.done $0x0  }
0xb6: {  	[sflag:s25] =	ssyncadd.s32 $0xFFFFF300  }
0xb7: {  	_ =	swait.ge [sflag:s25], $0xD00  }
0xb8: {  	[sflag:s25] =	ssyncset.done $0x0  }
0xb9: {  	[sflag:s25] =	ssyncadd.s32 $0xFFFFF300  }
0xba: {  	_ =	swait.ge [sflag:s25], $0xD00  }
0xbb: {  	[sflag:s25] =	ssyncset.done $0x0  }
0xbc: {  	[sflag:s25] =	ssyncadd.s32 $0xFFFFF300  }
0xbd: {  	_ =	swait.ge [sflag:s25], $0xD00  }
0xbe: {  	[sflag:s25] =	ssyncset.done $0x0  }
0xbf: {  	[sflag:s25] =	ssyncadd.s32 $0xFFFFF300  }
0xc0: {  	s21 =	smov.u32 s17;
	_ =	swait.ge [sflag:s31], $0x8000  }
0xc1: {  	s26 =	sshra.s32 s21, $0x2;
	[sflag:s31] =	ssyncset.done $0x0  }
0xc2: {  	s4 =	sadd.s32 $0x800, s26;
	[sflag:s31] =	ssyncadd.s32 $0xFFFF8000  }
0xc3: {  	[tilespmem:s10], [sflag:$0x1] =	stream.indirect.gather [hbm4b:s3+s9], $0x80, s4, s9, $0xb8;
	v63 =	vld [tilespmem:$0x0]  }
0xc4: {  	s6 =	sadd.s32 $0x880, s26  }
0xc5: {  	[tilespmem:s12], [sflag:$0x1] =	stream.indirect.gather [hbm4b:s3+s9], $0x80, s6, s9, $0xb8;
	v63 =	vld [tilespmem:$0x0]  }
0xc6: {  	s6 =	sadd.s32 $0x900, s26  }
0xc7: {  	[tilespmem:s14], [sflag:$0x1] =	stream.indirect.gather [hbm4b:s3+s9], $0x80, s6, s9, $0xb8;
	v63 =	vld [tilespmem:$0x0]  }
0xc8: {  	s6 =	sadd.s32 $0x980, s26  }
0xc9: {  	[tilespmem:s16], [sflag:$0x1] =	stream.indirect.gather [hbm4b:s3+s9], $0x80, s6, s9, $0xb8;
	v63 =	vld [tilespmem:$0x0]  }
0xca: {  	s6 =	sadd.s32 $0xA00, s26  }
0xcb: {  	[tilespmem:s18], [sflag:$0x1] =	stream.indirect.gather [hbm4b:s3+s9], $0x80, s6, s9, $0xb8;
	v63 =	vld [tilespmem:$0x0]  }
0xcc: {  	s6 =	sadd.s32 $0xA80, s26  }
0xcd: {  	[tilespmem:s20], [sflag:$0x1] =	stream.indirect.gather [hbm4b:s3+s9], $0x80, s6, s9, $0xb8;
	v63 =	vld [tilespmem:$0x0]  }
0xce: {  	s4 =	sadd.s32 $0xB00, s26  }
0xcf: {  	[tilespmem:s22], [sflag:$0x1] =	stream.indirect.gather [hbm4b:s3+s9], $0x80, s4, s9, $0xb8;
	v63 =	vld [tilespmem:$0x0]  }
0xd0: {  	s6 =	rddreg [dreg:$0x3];
	s4 =	sadd.s32 $0xB80, s26  }
0xd1: {  	[tilespmem:s24], [sflag:$0x1] =	stream.indirect.gather [hbm4b:s3+s9], $0x80, s4, s9, $0xb8;
	v63 =	vld [tilespmem:$0x0]  }
0xd2: {  	s6 =	sadd.s32 s21, s6  }
0xd3: {  	[hbm4b:s6+s1] =	stream.linear.scatter [tilespmem:s28], [sflag:$0x3], $0x8000, $0x38;
	v63 =	vld [tilespmem:$0x0]  }
0xd4: {  	_ =	swait.ge [sflag:s25], $0xD00  }
0xd5: {  	[sflag:s25] =	ssyncset.done $0x0  }
0xd6: {  	[sflag:s25] =	ssyncadd.s32 $0xFFFFF300  }
0xd7: {  	_ =	swait.ge [sflag:s25], $0xD00  }
0xd8: {  	[sflag:s25] =	ssyncset.done $0x0  }
0xd9: {  	[sflag:s25] =	ssyncadd.s32 $0xFFFFF300  }
0xda: {  	_ =	swait.ge [sflag:s25], $0xD00  }
0xdb: {  	[sflag:s25] =	ssyncset.done $0x0  }
0xdc: {  	[sflag:s25] =	ssyncadd.s32 $0xFFFFF300  }
0xdd: {  	_ =	swait.ge [sflag:s25], $0xD00  }
0xde: {  	[sflag:s25] =	ssyncset.done $0x0  }
0xdf: {  	[sflag:s25] =	ssyncadd.s32 $0xFFFFF300  }
0xe0: {  	_ =	swait.ge [sflag:s25], $0xD00  }
0xe1: {  	[sflag:s25] =	ssyncset.done $0x0  }
0xe2: {  	[sflag:s25] =	ssyncadd.s32 $0xFFFFF300  }
0xe3: {  	_ =	swait.ge [sflag:s25], $0xD00  }
0xe4: {  	[sflag:s25] =	ssyncset.done $0x0  }
0xe5: {  	[sflag:s25] =	ssyncadd.s32 $0xFFFFF300  }
0xe6: {  	_ =	swait.ge [sflag:s25], $0xD00  }
0xe7: {  	[sflag:s25] =	ssyncset.done $0x0  }
0xe8: {  	[sflag:s25] =	ssyncadd.s32 $0xFFFFF300  }
0xe9: {  	_ =	swait.ge [sflag:s25], $0xD00  }
0xea: {  	[sflag:s25] =	ssyncset.done $0x0  }
0xeb: {  	[sflag:s25] =	ssyncadd.s32 $0xFFFFF300  }
0xec: {  	_ =	swait.ge [sflag:s2], $0x8000  }
0xed: {  	[sflag:s2] =	ssyncset.done $0x0  }
0xee: {  	s6 =	sadd.s32 $0xC00, s26;
	[sflag:s2] =	ssyncadd.s32 $0xFFFF8000  }
0xef: {  	[tilespmem:s28], [sflag:$0x1] =	stream.indirect.gather [hbm4b:s3+s9], $0x80, s6, s9, $0xb8;
	v63 =	vld [tilespmem:$0x0]  }
0xf0: {  	s6 =	sadd.s32 $0xC80, s26  }
0xf1: {  	[tilespmem:s30], [sflag:$0x1] =	stream.indirect.gather [hbm4b:s3+s9], $0x80, s6, s9, $0xb8;
	v63 =	vld [tilespmem:$0x0]  }
0xf2: {  	s6 =	sadd.s32 $0xD00, s26  }
0xf3: {  	[tilespmem:s0], [sflag:$0x1] =	stream.indirect.gather [hbm4b:s3+s9], $0x80, s6, s9, $0xb8;
	v63 =	vld [tilespmem:$0x0]  }
0xf4: {  	s6 =	sadd.s32 $0xD80, s26  }
0xf5: {  	[tilespmem:s11], [sflag:$0x1] =	stream.indirect.gather [hbm4b:s3+s9], $0x80, s6, s9, $0xb8;
	v63 =	vld [tilespmem:$0x0]  }
0xf6: {  	s6 =	sadd.s32 $0xE00, s26  }
0xf7: {  	[tilespmem:s15], [sflag:$0x1] =	stream.indirect.gather [hbm4b:s3+s9], $0x80, s6, s9, $0xb8;
	v63 =	vld [tilespmem:$0x0]  }
0xf8: {  	p0 =	sne.s32 s17, $0x3C000;
	s6 =	sadd.s32 $0xE80, s26  }
0xf9: {  	[tilespmem:s19], [sflag:$0x1] =	stream.indirect.gather [hbm4b:s3+s9], $0x80, s6, s9, $0xb8;
	v63 =	vld [tilespmem:$0x0]  }
.Ltmp0:
0xfa: {  	_ = 	snop;
	(pc) =	sbr.rel @p0 .LBB2_2-.Ltmp0, $4  }
0xfb: {  	s4 =	rddreg [dreg:$0x4];
	s6 =	sadd.s32 $0xF00, s26  }
0xfc: {  	[tilespmem:s23], [sflag:$0x1] =	stream.indirect.gather [hbm4b:s3+s9], $0x80, s6, s9, $0xb8;
	v63 =	vld [tilespmem:$0x0]  }
0xfd: {  	s17 =	sadd.s32 $0x2000, s17;
	s21 =	sadd.s32 s21, s4;
	s26 =	sadd.s32 $0xF80, s26  }
0xfe: {  	[tilespmem:s29], [sflag:$0x1] =	stream.indirect.gather [hbm4b:s3+s9], $0x80, s26, s9, $0xb8;
	v63 =	vld [tilespmem:$0x0]  }
0xff: {  	[hbm4b:s21+s1] =	stream.linear.scatter [tilespmem:s10], [sflag:$0x2], $0x8000, $0x38;
	v63 =	vld [tilespmem:$0x0]  }
0x100: {  	_ =	swait.ge [sflag:s25], $0xD00  }
0x101: {  	[sflag:s25] =	ssyncset.done $0x0  }
0x102: {  	[sflag:s25] =	ssyncadd.s32 $0xFFFFF300  }
0x103: {  	_ =	swait.ge [sflag:s25], $0xD00  }
0x104: {  	[sflag:s25] =	ssyncset.done $0x0  }
0x105: {  	[sflag:s25] =	ssyncadd.s32 $0xFFFFF300  }
0x106: {  	_ =	swait.ge [sflag:s25], $0xD00  }
0x107: {  	[sflag:s25] =	ssyncset.done $0x0  }
0x108: {  	[sflag:s25] =	ssyncadd.s32 $0xFFFFF300  }
0x109: {  	_ =	swait.ge [sflag:s25], $0xD00  }
0x10a: {  	[sflag:s25] =	ssyncset.done $0x0  }
0x10b: {  	[sflag:s25] =	ssyncadd.s32 $0xFFFFF300  }
0x10c: {  	_ =	swait.ge [sflag:s25], $0xD00  }
0x10d: {  	[sflag:s25] =	ssyncset.done $0x0  }
0x10e: {  	[sflag:s25] =	ssyncadd.s32 $0xFFFFF300  }
0x10f: {  	_ =	swait.ge [sflag:s25], $0xD00  }
0x110: {  	[sflag:s25] =	ssyncset.done $0x0  }
0x111: {  	[sflag:s25] =	ssyncadd.s32 $0xFFFFF300  }
0x112: {  	_ =	swait.ge [sflag:s25], $0xD00  }
0x113: {  	[sflag:s25] =	ssyncset.done $0x0  }
0x114: {  	[sflag:s25] =	ssyncadd.s32 $0xFFFFF300  }
0x115: {  	_ =	swait.ge [sflag:s25], $0xD00  }
0x116: {  	[sflag:s25] =	ssyncset.done $0x0  }
0x117: {  	[sflag:s25] =	ssyncadd.s32 $0xFFFFF300  }
0x118: {  	s13 =	sadd.s32 $0x1, s13;
	_ =	swait.ge [sflag:s31], $0x8000  }
0x119: {  	p0 =	sne.s32 s13, s7;
	[sflag:s31] =	ssyncset.done $0x0  }
.Ltmp1:
0x11a: {  	s4 =	rddreg [dreg:$0x6];
	[sflag:s31] =	ssyncadd.s32 $0xFFFF8000;
	(pc) =	sbr.rel @p0 .LBB2_1-.Ltmp1, $4  }
0x11b: {  	[hbm4b:s4+s1] =	stream.linear.scatter [tilespmem:s28], [sflag:$0x3], $0x8000, $0x38;
	v63 =	vld [tilespmem:$0x0]  }
0x11c: {  	_ =	swait.ge [sflag:s2], $0x8000  }
0x11d: {  	[sflag:s2] =	ssyncset.done $0x0  }
0x11e: {  	[sflag:s2] =	ssyncadd.s32 $0xFFFF8000  }
0x11f: {  	_ =	sfence.sel $0x180000  }
0x120: {  	[bflag:$0x0] =	sbarrier.arrive $0xFFFF  }
0x121: {  	_ =	strace $0x90000047  }
0x122: {  	s0 =	stileid.u32;
	[bflag:$0x2] =	sbarrier.arrive $0xFFFF  }
0x123: {  	p0 =	sne.s32 s0, $0x0;
	s0 =	rddreg [dreg:$0x2]  }
0x124: {  	s0 =	sadd.s32 @!p0 $0x100000, s0  }
0x125: {  	[sflag:s0] =	ssyncadd.tile.s32 @!p0 $0x1;
	_ =	shalt  }
.Lfunc_end2:
_tile_overlayer_lowered:
.L_overlay_start_2:
0x126: {  	(tag) =	ssettag $0x2  }
0x127: {  	s0 =	rddreg [dreg:$0x0];
	s2 =	stileid.u32  }
0x128: {  	s1 =	rddreg [dreg:$0x1];
	p0 =	sne.s32 s2, $0x0  }
0x129: {  	s3 =	rddreg [dreg:$0x2];
	[bflag:$0x3] =	sbarrier.arrive $0xFFFF;
	s2 =	simm.s32 @!p0 $0x1C04  }
0x12a: {  	[timem:s3], [sflag:s2] =	dma.local @!p0 [hbm:s0], s1  }
0x12b: {  	s0 =	simm.s32 @!p0 $0x4  }
0x12c: {  	_ =	swait.ge @!p0 [sflag:s0], s1  }
0x12d: {  	s1 =	ssub.s32 @!p0 $0x0, s1;
	[sflag:s0] =	ssyncset.done @!p0 $0x0  }
0x12e: {  	[sflag:s0] =	ssyncadd.s32 @!p0 s1  }
0x12f: {  	[bflag:$0x3] =	sbarrier.arrive $0xFFFF  }
0x130: {  	_ =	shalt  }

// kernel: sparse-core-data-format-call.cloned.1.call-start
scs
called_computation_lowered:
.L_overlay_start_0:
0x0: {  	s2 =	sld [smem:$0x3FD9]  }
0x1: {  	s3 =	sld [smem:$0x3FFE];
	_ =	sdelay $0x1  }
0x2: {  	s1 =	srdreg.scid  }
0x3: {  	s0 =	sand.u32 $0x1, s1  }
0x4: {  	s18 =	sshll.u32 s0, $0xA;
	s2 =	sadd.s32 s3, s2  }
0x5: {  	s2 =	sadd.s32 s2, s18  }
0x6: {  	[smem:$0x3FC6] =	sst s2  }
0x7: {  	_ = 	snop  }
0x8: {  	s2 =	sld [smem:$0x3FD0];
	(tm) =	ssettm $0x1  }
0x9: {  	s19 =	sld [smem:$0x3FFB];
	_ =	sdelay $0x3  }
0xa: {  	_ =	strace s19  }
0xb: {  	s3 =	sld [smem:$0x3FFC];
	_ =	sdelay $0x3  }
0xc: {  	_ =	strace s3  }
0xd: {  	s3 =	sld [smem:$0x3FFD];
	_ =	sdelay $0x3  }
0xe: {  	_ =	strace s3  }
0xf: {  	_ =	strace $0x8FFFFFFF  }
0x10: {  	s20 =	sld [smem:$0x3FDB];
	_ =	sdelay $0x1  }
0x11: {  	s4 =	simm.s32 $_scs_section_size  }
0x12: {  	s5 =	simm.s32 $_size__tile_overlayer_lowered;
	s6 =	simm.s32 $_tile_overlayer_lowered  }
0x13: {  	s23 =	simm.s32 $0x1BFF;
	s22 =	sshll.u32 s6, $0x1;
	s3 =	sadd.s32 s4, s20  }
0x14: {  	s7 =	simm.s32 $0x0;
	s21 =	sshll.u32 s5, $0x1;
	s5 =	sadd.s32 s22, s3  }
0x15: {  	[timem:s7], [sflag:s23] =	dma.local [hbm:s5], s21  }
0x16: {  	_ =	swait.ge [sflag:s23], s21  }
0x17: {  	s4 =	ssub.s32 $0x0, s21;
	[sflag:s23] =	ssyncset.done $0x0  }
0x18: {  	[sflag:s23] =	ssyncadd.s32 s4;
	_ =	sdelay $0x1  }
0x19: {  	s24 =	simm.s32 $0x1B8B  }
0x1a: {  	_ =	swait.ge [sflag:s24], $0x1  }
0x1b: {  	[sflag:s24] =	ssyncset.done $0x0  }
0x1c: {  	s26 =	simm.s32 $0x1B8E;
	s25 =	sld [smem:$0x3FFE];
	[sflag:s24] =	ssyncadd.s32 $0xFFFFFFFF  }
0x1d: {  	s27 =	simm.s32 $execute0_lowered;
	[smem:$0x3FD2] =	sst s26  }
0x1e: {  	s5 =	sshll.u32 s27, $0x1;
	_ =	strace $0x80000049;
	[dreg:$0x1] =	wrdreg $0xFFFFFFFF  }
0x1f: {  	s28 =	simm.s32 $_size_execute0_lowered;
	s3 =	sadd.s32 s3, s5;
	[dreg:$0x0] =	wrdreg $0x0  }
0x20: {  	s5 =	sshll.u32 s28, $0x1;
	[dreg:$0x2] =	wrdreg s3  }
0x21: {  	[dreg:$0x3] =	wrdreg s5  }
0x22: {  	[dreg:$0x4] =	wrdreg $0xC0  }
0x23: {  	_ =	task [dreg:s7], $0x5FFFF  }
0x24: {  	[dreg:$0x1] =	wrdreg $0xFFFFFFFF  }
0x25: {  	[dreg:$0x0] =	wrdreg $0x60  }
0x26: {  	[dreg:$0x2] =	wrdreg s25  }
0x27: {  	[dreg:$0x3] =	wrdreg s2  }
0x28: {  	[dreg:$0x4] =	wrdreg $0x9  }
0x29: {  	_ =	task.clear_ibuf [dreg:s7], $0x5FFFF;
	_ =	strace $0x90000049  }
0x2a: {  	s29 =	simm.s32 $0x9;
	_ =	strace $0x8000004B  }
0x2b: {  	_ =	swait.ge [sflag:s29], $0x1  }
0x2c: {  	[sflag:s29] =	ssyncadd.s32 $0xFFFFFFFF  }
0x2d: {  	_ =	strace $0x9000004B  }
0x2e: {  	_ =	sfence  }
0x2f: {  	s30 =	sld [smem:$0x0];
	_ =	sdelay $0x2  }
0x30: {  	s31 =	sshll.u32 s1, $0xD;
	s1 =	sshrl.u32 s1, $0x2  }
0x31: {  	s3 =	sand.u32 $0x4000, s31;
	s1 =	sadd.s32 s1, s30  }
0x32: {  	s0 =	sor.u32 s3, s0;
	s1 =	sshll.u32 s1, $0x11  }
0x33: {  	s0 =	sor.u32 s1, s0  }
0x34: {  	s0 =	sadd.s32 $0x8F2B, s0  }
0x35: {  	[sflag:s0] =	ssyncadd.remote.s32 $0x1  }
0x36: {  	_ =	sfence.sel $0xFFFF  }
0x37: {  	[dreg:$0x0] =	wrdreg $0xFFFFFFFF;
	(pc) =	sbr.abs _section_cstart, $3  }
0x38: {  	[dreg:$0x1] =	wrdreg $0xFFFFFFFF  }
0x39: {  	_ =	task.clear_ibuf [dreg:s7], $0x2FFFF;
	_ =	strace $0x9FFFFFFF  }
0x3a: {  	(tm) =	ssettm $0x7FFFFFFF  }
0x3b: {  	_ =	shalt  }
tec
execute0_lowered:
.L_overlay_start_1:
0x0: {  	(tag) =	ssettag $0x1  }
0x1: {  	s0 =	srdreg.scid  }
0x2: {  	s1 =	sshll.u32 s0, $0x4  }
0x3: {  	s0 =	stileid.u32;
	s1 =	sand.u32 $0x10, s1  }
0x4: {  	s1 =	sor.u32 s0, s1  }
0x5: {  	s6 =	rddreg [dreg:$0x0];
	s4 =	simm.s32 $0x1;
	s2 =	sshll.u32 s1, $0x7  }
0x6: {  	s7 =	simm.s32 $0x2;
	s12 =	simm.s32 $0x0;
	s1 =	ssub.s32 $0x4000, s2  }
0x7: {  	s8 =	simm.s32 $0x20000;
	s13 =	simm.s32 $0x0;
	s3 =	sand.u32 $0xF80, s1  }
0x8: {  	s9 =	simm.s32 $0x0;
	s5 =	sshrl.u32 s1, $0xC;
	p0 =	sne.s32 s3, $0x0  }
.Ltmp0:
0x9: {  	s1 =	rddreg [dreg:$0x2];
	s4 =	simm.s32 @!p0 $0x0;
	(pc) =	sbr.rel .LBB1_1-.Ltmp0, $4  }
0xa: {  	s11 =	simm.s32 $0x0;
	s3 =	rddreg [dreg:$0x1];
	s5 =	sadd.s32 s4, s5  }
0xb: {  	_ =	strace $0x8000004A;
	s4 =	simm.s32 $0x1;
	s5 =	smul.u32 $0x1A, s5  }
0xc: {  	s6 =	sadd.s32 $0xA00, s6;
	s10 =	smov.u32 s2;
	[sflag:s4] =	ssyncpa.u1 $0x0  }
0xd: {  	p0 =	por $0x0, $0x0;
	[sflag:s7] =	ssyncpa.u1 $0x0;
	s7 =	sor.u32 $0x1, s5  }
.LBB1_4:
0xe: {  	s16 =	sshll.u32 s13, $0x3;
	s17 =	sand.u32 $0x78, s13  }
0xf: {  	s30 =	sand.u32 $0x1F800, s13;
	s12 =	sshll.u32 s12, $0x11;
	s16 =	sand.u32 $0x3C00, s16  }
0x10: {  	[tilespmem:s15+$0x810 ss:$0x81] =	vst.msk $0xffff, v2;
	s31 =	sand.u32 $0x7, s13;
	s16 =	sor.u32 s17, s16;
	s17 =	sadd.s32 s3, s30  }
0x11: {  	[tilespmem:s15+$0x1020 ss:$0x81] =	vst.msk $0xffff, v0;
	s13 =	sshll.u32 s31, $0x12;
	s12 =	sadd.s32 s12, s17;
	s16 =	sshrl.u32 s16, $0x3  }
0x12: {  	[tilespmem:s15+$0x0 ss:$0x81] =	vst.msk $0xffff, v1;
	s13 =	sor.u32 $0x400, s13;
	s12 =	sadd.s32 s16, s12  }
0x13: {  	[hbm4b:s12+s13] =	stream.strided.scatter [tilespmem:s14], [sflag:$0x2], $0x2000, s8, s13, $0x20;
	[tilespmem:$0x8080] =	vst v63  }
.LBB1_5:
0x14: {  	s14 =	sadd.s32 $0x1, s9  }
0x15: {  	s12 =	sadd.s32 $0x1000, s10;
	s16 =	smov.u32 s10;
	p2 =	sgt.s32 s14, $0x19  }
0x16: {  	s16 =	smov.u32 @p2 s12  }
0x17: {  	s14 =	simm.s32 @p2 $0x0;
	p2 =	sgt.s32 s16, $0x3FFF  }
0x18: {  	s16 =	smov.u32 @p2 s2;
	p2 =	sne.s32 s11, s7  }
.Ltmp1:
0x19: {  	p1 =	slt.u32 s11, $0x2;
	(pc) =	sbr.rel @!p2 .LBB1_6-.Ltmp1, $4  }
0x1a: {  	s15 =	simm.s32 @!p1 $0x2  }
0x1b: {  	s13 =	smov.u32 s10;
	p0 =	por !p0, !p0;
	_ =	swait.ge @!p1 [sflag:s15], $0x2000  }
0x1c: {  	s12 =	smov.u32 s9;
	[sflag:s15] =	ssyncset.done @!p1 $0x0;
	s9 =	smov.u32 s14  }
0x1d: {  	s11 =	sadd.s32 $0x1, s11;
	[sflag:s15] =	ssyncadd.s32 @!p1 $0xFFFFE000;
	s10 =	smov.u32 s16  }
.LBB1_1:
0x1e: {  	p1 =	sge.u32 s11, s5  }
0x1f: {  	s31 =	sadd.s32 $0xFFFFFFFF, s11;
	s14 =	sxor.u32 @!p1 $0xFFFFFFFF, s11  }
0x20: {  	s15 =	sshll.u32 @!p1 s10, $0x9;
	s16 =	sshll.u32 @!p1 s9, $0x4;
	s17 =	simm.s32 @!p1 $0x1000  }
0x21: {  	s14 =	sshll.u32 @!p1 s14, $0xD;
	s16 =	sand.u32 @!p1 $0x1F0, s16;
	s15 =	sadd.s32 @!p1 s6, s15  }
0x22: {  	s14 =	sand.u32 @!p1 $0x2000, s14;
	s15 =	sadd.s32 @!p1 s16, s15;
	s16 =	simm.s32 @!p1 $0x40  }
0x23: {  	[tilespmem:s14], [sflag:$0x1] =	stream.strided.gather @!p1 [hbm4b:s15+s16], $0x2000, s17, s16, $0x38;
	[tilespmem:$0x8080] =	vst v63  }
0x24: {  	p1 =	sge.u32 s31, s5  }
.Ltmp2:
0x25: {  	_ = 	snop;
	(pc) =	sbr.rel @p1 .LBB1_5-.Ltmp2, $1  }
0x26: {  	_ =	sdelay $0x3  }
0x27: {  	s14 =	simm.s32 $0x1  }
0x28: {  	_ =	swait.ge [sflag:s4], $0x2000;
	s14 =	simm.s32 @!p0 $0x0  }
0x29: {  	[sflag:s4] =	ssyncset.done $0x0;
	s15 =	sshll.u32 s14, $0xD  }
0x2a: {  	[sflag:s4] =	ssyncadd.s32 $0xFFFFE000;
	s18 =	sor.u32 $0x20, s15  }
0x2b: {  	s14 =	smul.u32 $0x8100, s14;
	v3 =	vld [tilespmem:s18+$0x10]  }
0x2c: {  	s30 =	sand.u32 $0x1, s11;
	v2 =	vld [tilespmem:s18+$0xFFFFFFF0]  }
0x2d: {  	s15 =	smul.u32 $0x8100, s30;
	s14 =	sshrl.u32 s14, $0x2;
	v0 =	vld [tilespmem:s18+$0x0]  }
0x2e: {  	v1 =	vld [tilespmem:s18+$0xFFFFFFE0];
	s16 =	sor.u32 $0x4000, s14  }
0x2f: {  	s31 =	sshrl.u32 s15, $0x2;
	s15 =	sadd.s32 $0x0, s16  }
0x30: {  	s17 =	simm.s32 $0x4;
	s18 =	sadd.s32 $0x40, s18;
	s14 =	sor.u32 $0x4000, s31;
	[tilespmem:s15+$0x1830 ss:$0x81] =	vst.msk $0xffff, v3  }
.LBB1_3:
0x31: {  	v3 =	vld [tilespmem:s18+$0x10];
	p1 =	sne.s32 s17, $0x1FC;
	[tilespmem:s15+$0x810 ss:$0x81] =	vst.msk $0xffff, v2;
	s19 =	smov.u32 s17;
	s17 =	sadd.s32 $0x4, s17  }
.Ltmp3:
0x32: {  	v2 =	vld [tilespmem:s18+$0xFFFFFFF0];
	[tilespmem:s15+$0x1020 ss:$0x81] =	vst.msk $0xffff, v0;
	(pc) =	sbr.rel @p1 .LBB1_3-.Ltmp3, $4  }
0x33: {  	v0 =	vld [tilespmem:s18+$0x0];
	[tilespmem:s15+$0x0 ss:$0x81] =	vst.msk $0xffff, v1  }
0x34: {  	s15 =	sshra.s32 s19, $0x2;
	v1 =	vld [tilespmem:s18+$0xFFFFFFE0]  }
0x35: {  	s15 =	sadd.s32 s15, s16  }
0x36: {  	s18 =	sadd.s32 $0x40, s18;
	[tilespmem:s15+$0x1830 ss:$0x81] =	vst.msk $0xffff, v3  }
.Ltmp4:
0x37: {  	_ = 	snop;
	(pc) =	sbr.rel .LBB1_4-.Ltmp4, $1  }
0x38: {  	_ =	sdelay $0x3  }
.LBB1_6:
0x39: {  	_ =	sfence.sel $0x180000  }
0x3a: {  	s2 =	simm.s32 $0x1;
	[bflag:$0x0] =	sbarrier.arrive $0xFFFF  }
0x3b: {  	s31 =	simm.s32 $0x2;
	[sflag:s2] =	ssyncpa.u1 $0x1  }
0x3c: {  	[sflag:s31] =	ssyncpa.u1 $0x1  }
0x3d: {  	p0 =	sne.s32 s0, $0x0;
	_ =	strace $0x9000004A  }
0x3e: {  	s0 =	sadd.s32 @!p0 $0x100000, s1;
	[bflag:$0x2] =	sbarrier.arrive $0xFFFF  }
0x3f: {  	[sflag:s0] =	ssyncadd.tile.s32 @!p0 $0x1;
	_ =	shalt  }
.Lfunc_end1:
_tile_overlayer_lowered:
.L_overlay_start_2:
0x40: {  	(tag) =	ssettag $0x2  }
0x41: {  	s0 =	rddreg [dreg:$0x0];
	s2 =	stileid.u32  }
0x42: {  	s1 =	rddreg [dreg:$0x1];
	p0 =	sne.s32 s2, $0x0  }
0x43: {  	s3 =	rddreg [dreg:$0x2];
	[bflag:$0x3] =	sbarrier.arrive $0xFFFF;
	s2 =	simm.s32 @!p0 $0x1C01  }
0x44: {  	[timem:s3], [sflag:s2] =	dma.local @!p0 [hbm:s0], s1  }
0x45: {  	s0 =	simm.s32 @!p0 $0x1  }
0x46: {  	_ =	swait.ge @!p0 [sflag:s0], s1  }
0x47: {  	s1 =	ssub.s32 @!p0 $0x0, s1;
	[sflag:s0] =	ssyncset.done @!p0 $0x0  }
0x48: {  	[sflag:s0] =	ssyncadd.s32 @!p0 s1  }
0x49: {  	[bflag:$0x3] =	sbarrier.arrive $0xFFFF  }
0x4a: {  	_ =	shalt  }

</sc_bundles>
